<compile_context>
chip_gen: v7x
topology: tpu7x:2x2x1
jax: 0.10.2.dev20260603
libtpu: 0.0.44.dev20260713+nightly
codegen_flags: <defaults>
</compile_context>

<pallas_src>
import functools

import jax
import jax.numpy as jnp
from jax import lax
from jax.experimental import pallas as pl
from jax.experimental.pallas import tpu as pltpu
from jax.experimental.pallas import tpu_sc as plsc

P = 8
PP = P * P
H = 16
B = 1024
C = 96
CC = 48
NSLAB = 18 * 18
NW = 32
MAXS = (NSLAB + NW - 1) // NW


def _tables(topW, botW, leftW, rightW, tlW, trW, blW, brW):
    wv = [2.0 * jnp.tanh(w / 2.0) for w in
          (topW, botW, leftW, rightW, tlW, trW, blW, brW)]
    one = jnp.ones((C,), jnp.float32)
    zeroc = jnp.zeros((C,), jnp.float32)
    del zeroc
    w1 = jnp.stack(wv + [one])
    w1 = jnp.broadcast_to(w1.reshape(9, 12, 8, 1), (9, 12, 8, 16))
    w1 = w1.reshape(9, 12, 128)
    b = jnp.arange(64)
    r = b // P
    c = b % P
    mT = (r > 0).astype(jnp.float32)
    mB = (r < P - 1).astype(jnp.float32)
    mL = (c > 0).astype(jnp.float32)
    mR = (c < P - 1).astype(jnp.float32)
    m = jnp.stack([mT, mB, mL, mR, mT * mL, mT * mR, mB * mL, mB * mR,
                   jnp.ones((64,), jnp.float32)])
    m = m.reshape(9, 4, 16)
    return w1, m


def _sc_kernel(x_hbm, w1_hbm, m_hbm, out_hbm,
               bufa, bufb, w1_v, m_v, sem_a, sem_b):
    wid = lax.axis_index("s") * 2 + lax.axis_index("c")
    pltpu.sync_copy(w1_hbm, w1_v)
    pltpu.sync_copy(m_hbm, m_v)

    def slab_loop(t, carry0):
        sid = wid + NW * t

        @pl.when(sid < NSLAB)
        def _():
            u = sid // 18
            v = sid % 18
            interior = jnp.logical_and(
                jnp.logical_and(u > 0, u < 17),
                jnp.logical_and(v > 0, v < 17))
            ty = jnp.where(
                u == 0, jnp.where(v == 0, 4, jnp.where(v == 17, 5, 0)),
                jnp.where(
                    u == 17, jnp.where(v == 0, 6, jnp.where(v == 17, 7, 1)),
                    jnp.where(v == 0, 2, jnp.where(v == 17, 3, 8))))
            hwA = jnp.where(
                ty == 0, v - 1,
                jnp.where(ty == 1, 240 + v - 1,
                jnp.where(ty == 2, 16 * (u - 1),
                jnp.where(ty == 3, 16 * (u - 1) + 15,
                jnp.where(ty == 4, 0,
                jnp.where(ty == 5, 15,
                jnp.where(ty == 6, 240,
                jnp.where(ty == 7, 255, 16 * (u - 1) + (v - 1)))))))))
            hwB = jnp.where(
                ty == 0, 16 + v - 1,
                jnp.where(ty == 1, 224 + v - 1,
                jnp.where(ty == 2, 16 * (u - 1) + 1,
                jnp.where(ty == 3, 16 * (u - 1) + 14, hwA))))

            @pl.when(interior)
            def _():
                ha = pltpu.async_copy(x_hbm.at[pl.ds(0, CC), hwA, :],
                                      bufa, sem_a)
                hb = pltpu.async_copy(x_hbm.at[pl.ds(CC, CC), hwA, :],
                                      bufb, sem_b)
                ha.wait()
                hb.wait()
                oa = pltpu.async_copy(bufa, out_hbm.at[sid, pl.ds(0, CC), :],
                                      sem_a)
                ob = pltpu.async_copy(bufb, out_hbm.at[sid, pl.ds(CC, CC), :],
                                      sem_b)
                oa.wait()
                ob.wait()

            @pl.when(jnp.logical_not(interior))
            def _():
                def chunk_loop(cc, carry1):
                    c0 = cc * CC
                    ha = pltpu.async_copy(x_hbm.at[pl.ds(c0, CC), hwA, :],
                                          bufa, sem_a)
                    hb = pltpu.async_copy(x_hbm.at[pl.ds(c0, CC), hwB, :],
                                          bufb, sem_b)
                    ha.wait()
                    hb.wait()

                    ef = jnp.where(ty < 4, 1.0, 0.0).astype(jnp.float32)

                    def row_body(ci, carry):
                        cg = c0 + ci
                        wa = w1_v[ty, cg // 8, pl.ds((cg % 8) * 16, 16)]
                        wb = (1.0 - wa) * ef

                        def body(j, carry2):
                            a = bufa[ci, pl.ds(16 * j, 16)]
                            bb = bufb[ci, pl.ds(16 * j, 16)]
                            mm = m_v[ty, j % 4, :]
                            bufa[ci, pl.ds(16 * j, 16)] = mm * (wa * a + wb * bb)
                            return carry2

                        lax.fori_loop(0, B // 16, body, 0)
                        return carry

                    lax.fori_loop(0, CC, row_body, 0)
                    pltpu.sync_copy(bufa, out_hbm.at[sid, pl.ds(c0, CC), :])
                    return carry1

                lax.fori_loop(0, C // CC, chunk_loop, 0)

        return carry0

    lax.fori_loop(0, MAXS, slab_loop, 0)


def kernel(x, topW, botW, leftW, rightW, topleftW, toprightW, botleftW,
           botrightW, padding, num_patches, scaling_factor):
    b, Cx, ph, pw = x.shape
    x3 = jnp.transpose(x, (1, 2, 3, 0)).reshape(Cx, ph * pw, b)
    w1, m = _tables(topW, botW, leftW, rightW,
                    topleftW, toprightW, botleftW, botrightW)

    mesh = plsc.VectorSubcoreMesh(core_axis_name="c", subcore_axis_name="s")
    run = functools.partial(
        pl.kernel,
        out_type=jax.ShapeDtypeStruct((NSLAB, Cx, b), x.dtype),
        mesh=mesh,
        scratch_types=[
            pltpu.VMEM((CC, b), jnp.float32),
            pltpu.VMEM((CC, b), jnp.float32),
            pltpu.VMEM((9, 12, 128), jnp.float32),
            pltpu.VMEM((9, 4, 16), jnp.float32),
            pltpu.SemaphoreType.DMA,
            pltpu.SemaphoreType.DMA,
        ],
    )(_sc_kernel)
    out3 = run(x3, w1, m)
    out4 = out3.reshape(ph + 2, pw + 2, Cx, b)
    return jnp.transpose(out4, (3, 2, 0, 1))

# --- scband reference (transcript-rebuilt; emitter-appended) ---
"""Pipeline reference for scband-deadline4-11742440587601 (READ-ONLY COPY).

The authoritative reference and input builder live on the scoring server;
editing this copy changes nothing except your own understanding.
"""

import jax, jax.numpy as jnp
import numpy as np


def _indices(P, B, b):
    tl = jnp.tile(jnp.arange(1, P), P - 1) + jnp.repeat(jnp.arange(P, P**2, P), P - 1)
    tl = jnp.tile(tl, B) + jnp.repeat(jnp.arange(0, b, P**2), (P - 1)**2)
    tr = jnp.tile(jnp.arange(0, P - 1), P - 1) + jnp.repeat(jnp.arange(P, P**2, P), P - 1)
    tr = jnp.tile(tr, B) + jnp.repeat(jnp.arange(0, b, P**2), (P - 1)**2)
    bl = jnp.tile(jnp.arange(1, P), P - 1) + jnp.repeat(jnp.arange(0, P**2 - P, P), P - 1)
    bl = jnp.tile(bl, B) + jnp.repeat(jnp.arange(0, b, P**2), (P - 1)**2)
    br = jnp.tile(jnp.arange(0, P - 1), P - 1) + jnp.repeat(jnp.arange(0, P**2 - P, P), P - 1)
    br = jnp.tile(br, B) + jnp.repeat(jnp.arange(0, b, P**2), (P - 1)**2)
    bot = jnp.tile(jnp.arange(0, P * (P - 1)), B) + jnp.repeat(jnp.arange(0, b, P**2), P * (P - 1))
    top = jnp.tile(jnp.arange(P, P**2), B) + jnp.repeat(jnp.arange(0, b, P**2), P * (P - 1))
    right = jnp.tile(jnp.arange(0, P - 1), P) + jnp.repeat(jnp.arange(0, P**2, P), P - 1)
    right = jnp.tile(right, B) + jnp.repeat(jnp.arange(0, b, P**2), P * (P - 1))
    left = jnp.tile(jnp.arange(1, P), P) + jnp.repeat(jnp.arange(0, P**2, P), P - 1)
    left = jnp.tile(left, B) + jnp.repeat(jnp.arange(0, b, P**2), P * (P - 1))
    return tl, tr, bl, br, top, bot, left, right


def _forward(x, topW, botW, leftW, rightW, tlW, trW, blW, brW, padding, P, pad_fill):
    b, C, ph, pw = x.shape
    B = b // (P * P)
    tl, tr, bl, br, top, bot, left, right = _indices(P, B, b)
    topWv = 2.0 * jnp.tanh(topW / 2.0).reshape(1, C, 1)
    botWv = 2.0 * jnp.tanh(botW / 2.0).reshape(1, C, 1)
    leftWv = 2.0 * jnp.tanh(leftW / 2.0).reshape(1, C, 1)
    rightWv = 2.0 * jnp.tanh(rightW / 2.0).reshape(1, C, 1)
    tlWv = 2.0 * jnp.tanh(tlW / 2.0).reshape(1, C)
    trWv = 2.0 * jnp.tanh(trW / 2.0).reshape(1, C)
    blWv = 2.0 * jnp.tanh(blW / 2.0).reshape(1, C)
    brWv = 2.0 * jnp.tanh(brW / 2.0).reshape(1, C)
    p_tl = tlWv * x[tl, :, 0, 0]
    p_tr = trWv * x[tr, :, 0, -1]
    p_bl = blWv * x[bl, :, -1, 0]
    p_br = brWv * x[br, :, -1, -1]
    p_top = topWv * x[top, :, 0, :] + (1.0 - topWv) * x[top, :, 1, :]
    p_bot = botWv * x[bot, :, -1, :] + (1.0 - botWv) * x[bot, :, -2, :]
    p_left = leftWv * x[left, :, :, 0] + (1.0 - leftWv) * x[left, :, :, 1]
    p_right = rightWv * x[right, :, :, -1] + (1.0 - rightWv) * x[right, :, :, -2]
    out = jnp.pad(x, ((0, 0), (0, 0), (padding, padding), (padding, padding)), mode='constant', constant_values=pad_fill)
    out = out.at[tl, :, 0, 0].set(p_tl)
    out = out.at[tr, :, 0, -1].set(p_tr)
    out = out.at[bl, :, -1, 0].set(p_bl)
    out = out.at[br, :, -1, -1].set(p_br)
    out = out.at[top, :, 0, 1:1 + pw].set(p_top)
    out = out.at[bot, :, -1, 1:1 + pw].set(p_bot)
    out = out.at[left, :, 1:ph + 1, 0].set(p_left)
    out = out.at[right, :, 1:ph + 1, -1].set(p_right)
    return out


def setup_inputs(seed: int = 0) -> dict:
    key = jax.random.key(seed)
    ks = jax.random.split(key, 9)
    C = 96
    x = jax.random.normal(ks[0], (1024, C, 16, 16), dtype=jnp.float32)
    inp = {
        'x': x,
        'topW': jax.random.normal(ks[1], (C,), dtype=jnp.float32),
        'botW': jax.random.normal(ks[2], (C,), dtype=jnp.float32),
        'leftW': jax.random.normal(ks[3], (C,), dtype=jnp.float32),
        'rightW': jax.random.normal(ks[4], (C,), dtype=jnp.float32),
        'topleftW': jax.random.normal(ks[5], (C,), dtype=jnp.float32),
        'toprightW': jax.random.normal(ks[6], (C,), dtype=jnp.float32),
        'botleftW': jax.random.normal(ks[7], (C,), dtype=jnp.float32),
        'botrightW': jax.random.normal(ks[8], (C,), dtype=jnp.float32),
        'padding': 1,
        'num_patches': 8,
        'scaling_factor': jnp.ones((1,), dtype=jnp.float32),
    }
    return inp


def reference(x, topW, botW, leftW, rightW, topleftW, toprightW, botleftW, botrightW, padding, num_patches, scaling_factor):
    padding_arr = jnp.asarray(padding)
    num_patches_arr = jnp.asarray(num_patches)
    pad_fill = (padding_arr - padding_arr + num_patches_arr - num_patches_arr).astype(x.dtype)
    return _forward(x, topW, botW, leftW, rightW, topleftW, toprightW, botleftW, botrightW, 1, 8, pad_fill)

if __name__ == "__main__":
    import jax
    _d = setup_inputs()
    print(jax.jit(kernel)(*tuple(_d.values())))

</pallas_src>

<mosaic_0001>
#map = affine_map<(d0, d1) -> (0, 0, 0)>
module attributes {stable_mosaic.version = 14 : i64} {
  func.func @_sc_kernel(%arg0: i32, %arg1: i32, %arg2: memref<96x256x1024xf32, #tpu.memory_space<hbm>>, %arg3: memref<9x12x128xf32, #tpu.memory_space<hbm>>, %arg4: memref<9x4x16xf32, #tpu.memory_space<hbm>>, %arg5: memref<324x96x1024xf32, #tpu.memory_space<hbm>>, %arg6: memref<48x1024xf32, #tpu.memory_space<vmem>>, %arg7: memref<48x1024xf32, #tpu.memory_space<vmem>>, %arg8: memref<9x12x128xf32, #tpu.memory_space<vmem>>, %arg9: memref<9x4x16xf32, #tpu.memory_space<vmem>>, %arg10: memref<!tpu.dma_semaphore, #tpu.memory_space<semaphore_mem>>, %arg11: memref<!tpu.dma_semaphore, #tpu.memory_space<semaphore_mem>>) attributes {dimension_semantics = [#tpu.dimension_semantics<core_parallel>, #tpu.dimension_semantics<subcore_parallel>], iteration_bounds = array<i64: 2, 16>, scalar_prefetch = 0 : i64, scratch_operands = 6 : i64, tpu.core_type = #tpu.core_type<sc_vector_subcore>, window_params = [{transform_indices = #map}, {transform_indices = #map}, {transform_indices = #map}, {transform_indices = #map}]} {
    %mul3A = arith.constant 2 : i32
    %mul3A_0 = arith.muli %arg1, %mul3A : i32
    %add3A = arith.addi %mul3A_0, %arg0 : i32
    "tpu.region"() ({
      %run_scoped3A = tpu.sem_alloc : memref<!tpu.dma_semaphore, #tpu.memory_space<semaphore_mem>>
      tpu.enqueue_dma source(%arg3 : memref<9x12x128xf32, #tpu.memory_space<hbm>>) target(%arg8 : memref<9x12x128xf32, #tpu.memory_space<vmem>>) target_semaphore(%run_scoped3A : memref<!tpu.dma_semaphore, #tpu.memory_space<semaphore_mem>>)
      tpu.wait_dma2 semaphore(%run_scoped3A : memref<!tpu.dma_semaphore, #tpu.memory_space<semaphore_mem>>) src(%arg3 : memref<9x12x128xf32, #tpu.memory_space<hbm>>) dst(%arg8 : memref<9x12x128xf32, #tpu.memory_space<vmem>>)
      tpu.yield
    }) : () -> ()
    "tpu.region"() ({
      %run_scoped3A = tpu.sem_alloc : memref<!tpu.dma_semaphore, #tpu.memory_space<semaphore_mem>>
      tpu.enqueue_dma source(%arg4 : memref<9x4x16xf32, #tpu.memory_space<hbm>>) target(%arg9 : memref<9x4x16xf32, #tpu.memory_space<vmem>>) target_semaphore(%run_scoped3A : memref<!tpu.dma_semaphore, #tpu.memory_space<semaphore_mem>>)
      tpu.wait_dma2 semaphore(%run_scoped3A : memref<!tpu.dma_semaphore, #tpu.memory_space<semaphore_mem>>) src(%arg4 : memref<9x4x16xf32, #tpu.memory_space<hbm>>) dst(%arg9 : memref<9x4x16xf32, #tpu.memory_space<vmem>>)
      tpu.yield
    }) : () -> ()
    %scan3A = arith.constant 0 : i32
    %scan3A_1 = arith.constant 0 : i32
    %scan3A_2 = arith.constant 11 : i32
    %scan3A_3 = arith.addi %scan3A_1, %scan3A_2 : i32
    %scan3A_4 = arith.constant 1 : i32
    scf.for %scan3A_6 = %scan3A_1 to %scan3A_3 step %scan3A_4  : i32 {
      %mul3A_7 = arith.constant 32 : i32
      %mul3A_8 = arith.muli %mul3A_7, %scan3A_6 : i32
      %add3A_9 = arith.addi %add3A, %mul3A_8 : i32
      %lt3A = arith.constant 324 : i32
      %lt3A_10 = arith.cmpi slt, %add3A_9, %lt3A : i32
      %convert_element_type3A = arith.extui %lt3A_10 : i1 to i32
      %cond3A = arith.constant 0 : i32
      %cond3A_11 = arith.cmpi ne, %convert_element_type3A, %cond3A : i32
      scf.if %cond3A_11 {
        %jit3A = arith.constant 18 : i32
        %div3A = arith.divsi %add3A_9, %jit3A : i32
        %sign3A = arith.constant 0 : i32
        %sign3A_12 = arith.cmpi sgt, %add3A_9, %sign3A : i32
        %sign3A_13 = arith.extui %sign3A_12 : i1 to i32
        %sign3A_14 = arith.constant 0 : i32
        %sign3A_15 = arith.cmpi slt, %add3A_9, %sign3A_14 : i32
        %sign3A_16 = arith.extui %sign3A_15 : i1 to i32
        %sign3A_17 = arith.subi %sign3A_13, %sign3A_16 : i32
        %sign3A_18 = arith.constant 0 : i32
        %sign3A_19 = arith.cmpi sgt, %jit3A, %sign3A_18 : i32
        %sign3A_20 = arith.extui %sign3A_19 : i1 to i32
        %sign3A_21 = arith.constant 0 : i32
        %sign3A_22 = arith.cmpi slt, %jit3A, %sign3A_21 : i32
        %sign3A_23 = arith.extui %sign3A_22 : i1 to i32
        %sign3A_24 = arith.subi %sign3A_20, %sign3A_23 : i32
        %ne3A = arith.cmpi ne, %sign3A_17, %sign3A_24 : i32
        %rem3A = arith.remsi %add3A_9, %jit3A : i32
        %ne3A_25 = arith.constant 0 : i32
        %ne3A_26 = arith.cmpi ne, %rem3A, %ne3A_25 : i32
        %and3A = arith.andi %ne3A, %ne3A_26 : i1
        %sub3A = arith.constant 1 : i32
        %sub3A_27 = arith.subi %div3A, %sub3A : i32
        %select_n3A = arith.select %and3A, %sub3A_27, %div3A : i32
        %jit3A_28 = arith.constant 18 : i32
        %eq3A = arith.constant 0 : i32
        %eq3A_29 = arith.cmpi eq, %jit3A_28, %eq3A : i32
        %jit3A_30 = arith.constant 1 : i32
        %select_n3A_31 = arith.select %eq3A_29, %jit3A_30, %jit3A_28 : i32
        %rem3A_32 = arith.remsi %add3A_9, %select_n3A_31 : i32
        %ne3A_33 = arith.constant 0 : i32
        %ne3A_34 = arith.cmpi ne, %rem3A_32, %ne3A_33 : i32
        %lt3A_35 = arith.constant 0 : i32
        %lt3A_36 = arith.cmpi slt, %rem3A_32, %lt3A_35 : i32
        %lt3A_37 = arith.constant 0 : i32
        %lt3A_38 = arith.cmpi slt, %select_n3A_31, %lt3A_37 : i32
        %ne3A_39 = arith.xori %lt3A_36, %lt3A_38 : i1
        %and3A_40 = arith.andi %ne3A_39, %ne3A_34 : i1
        %add3A_41 = arith.addi %rem3A_32, %select_n3A_31 : i32
        %select_n3A_42 = arith.select %and3A_40, %add3A_41, %rem3A_32 : i32
        %gt3A = arith.constant 0 : i32
        %gt3A_43 = arith.cmpi sgt, %select_n3A, %gt3A : i32
        %lt3A_44 = arith.constant 17 : i32
        %lt3A_45 = arith.cmpi slt, %select_n3A, %lt3A_44 : i32
        %and3A_46 = arith.andi %gt3A_43, %lt3A_45 : i1
        %gt3A_47 = arith.constant 0 : i32
        %gt3A_48 = arith.cmpi sgt, %select_n3A_42, %gt3A_47 : i32
        %lt3A_49 = arith.constant 17 : i32
        %lt3A_50 = arith.cmpi slt, %select_n3A_42, %lt3A_49 : i32
        %and3A_51 = arith.andi %gt3A_48, %lt3A_50 : i1
        %and3A_52 = arith.andi %and3A_46, %and3A_51 : i1
        %eq3A_53 = arith.constant 0 : i32
        %eq3A_54 = arith.cmpi eq, %select_n3A, %eq3A_53 : i32
        %eq3A_55 = arith.constant 0 : i32
        %eq3A_56 = arith.cmpi eq, %select_n3A_42, %eq3A_55 : i32
        %eq3A_57 = arith.constant 17 : i32
        %eq3A_58 = arith.cmpi eq, %select_n3A_42, %eq3A_57 : i32
        %jit3A_59 = arith.constant 5 : i32
        %jit3A_60 = arith.constant 0 : i32
        %select_n3A_61 = arith.select %eq3A_58, %jit3A_59, %jit3A_60 : i32
        %jit3A_62 = arith.constant 4 : i32
        %select_n3A_63 = arith.select %eq3A_56, %jit3A_62, %select_n3A_61 : i32
        %eq3A_64 = arith.constant 17 : i32
        %eq3A_65 = arith.cmpi eq, %select_n3A, %eq3A_64 : i32
        %eq3A_66 = arith.constant 0 : i32
        %eq3A_67 = arith.cmpi eq, %select_n3A_42, %eq3A_66 : i32
        %eq3A_68 = arith.constant 17 : i32
        %eq3A_69 = arith.cmpi eq, %select_n3A_42, %eq3A_68 : i32
        %jit3A_70 = arith.constant 7 : i32
        %jit3A_71 = arith.constant 1 : i32
        %select_n3A_72 = arith.select %eq3A_69, %jit3A_70, %jit3A_71 : i32
        %jit3A_73 = arith.constant 6 : i32
        %select_n3A_74 = arith.select %eq3A_67, %jit3A_73, %select_n3A_72 : i32
        %eq3A_75 = arith.constant 0 : i32
        %eq3A_76 = arith.cmpi eq, %select_n3A_42, %eq3A_75 : i32
        %eq3A_77 = arith.constant 17 : i32
        %eq3A_78 = arith.cmpi eq, %select_n3A_42, %eq3A_77 : i32
        %jit3A_79 = arith.constant 3 : i32
        %jit3A_80 = arith.constant 8 : i32
        %select_n3A_81 = arith.select %eq3A_78, %jit3A_79, %jit3A_80 : i32
        %jit3A_82 = arith.constant 2 : i32
        %select_n3A_83 = arith.select %eq3A_76, %jit3A_82, %select_n3A_81 : i32
        %select_n3A_84 = arith.select %eq3A_65, %select_n3A_74, %select_n3A_83 : i32
        %select_n3A_85 = arith.select %eq3A_54, %select_n3A_63, %select_n3A_84 : i32
        %eq3A_86 = arith.constant 0 : i32
        %eq3A_87 = arith.cmpi eq, %select_n3A_85, %eq3A_86 : i32
        %sub3A_88 = arith.constant 1 : i32
        %sub3A_89 = arith.subi %select_n3A_42, %sub3A_88 : i32
        %eq3A_90 = arith.constant 1 : i32
        %eq3A_91 = arith.cmpi eq, %select_n3A_85, %eq3A_90 : i32
        %add3A_92 = arith.constant 240 : i32
        %add3A_93 = arith.addi %add3A_92, %select_n3A_42 : i32
        %sub3A_94 = arith.constant 1 : i32
        %sub3A_95 = arith.subi %add3A_93, %sub3A_94 : i32
        %eq3A_96 = arith.constant 2 : i32
        %eq3A_97 = arith.cmpi eq, %select_n3A_85, %eq3A_96 : i32
        %sub3A_98 = arith.constant 1 : i32
        %sub3A_99 = arith.subi %select_n3A, %sub3A_98 : i32
        %mul3A_100 = arith.constant 16 : i32
        %mul3A_101 = arith.muli %mul3A_100, %sub3A_99 : i32
        %eq3A_102 = arith.constant 3 : i32
        %eq3A_103 = arith.cmpi eq, %select_n3A_85, %eq3A_102 : i32
        %sub3A_104 = arith.constant 1 : i32
        %sub3A_105 = arith.subi %select_n3A, %sub3A_104 : i32
        %mul3A_106 = arith.constant 16 : i32
        %mul3A_107 = arith.muli %mul3A_106, %sub3A_105 : i32
        %add3A_108 = arith.constant 15 : i32
        %add3A_109 = arith.addi %mul3A_107, %add3A_108 : i32
        %eq3A_110 = arith.constant 4 : i32
        %eq3A_111 = arith.cmpi eq, %select_n3A_85, %eq3A_110 : i32
        %eq3A_112 = arith.constant 5 : i32
        %eq3A_113 = arith.cmpi eq, %select_n3A_85, %eq3A_112 : i32
        %eq3A_114 = arith.constant 6 : i32
        %eq3A_115 = arith.cmpi eq, %select_n3A_85, %eq3A_114 : i32
        %eq3A_116 = arith.constant 7 : i32
        %eq3A_117 = arith.cmpi eq, %select_n3A_85, %eq3A_116 : i32
        %sub3A_118 = arith.constant 1 : i32
        %sub3A_119 = arith.subi %select_n3A, %sub3A_118 : i32
        %mul3A_120 = arith.constant 16 : i32
        %mul3A_121 = arith.muli %mul3A_120, %sub3A_119 : i32
        %sub3A_122 = arith.constant 1 : i32
        %sub3A_123 = arith.subi %select_n3A_42, %sub3A_122 : i32
        %add3A_124 = arith.addi %mul3A_121, %sub3A_123 : i32
        %jit3A_125 = arith.constant 255 : i32
        %select_n3A_126 = arith.select %eq3A_117, %jit3A_125, %add3A_124 : i32
        %jit3A_127 = arith.constant 240 : i32
        %select_n3A_128 = arith.select %eq3A_115, %jit3A_127, %select_n3A_126 : i32
        %jit3A_129 = arith.constant 15 : i32
        %select_n3A_130 = arith.select %eq3A_113, %jit3A_129, %select_n3A_128 : i32
        %jit3A_131 = arith.constant 0 : i32
        %select_n3A_132 = arith.select %eq3A_111, %jit3A_131, %select_n3A_130 : i32
        %select_n3A_133 = arith.select %eq3A_103, %add3A_109, %select_n3A_132 : i32
        %select_n3A_134 = arith.select %eq3A_97, %mul3A_101, %select_n3A_133 : i32
        %select_n3A_135 = arith.select %eq3A_91, %sub3A_95, %select_n3A_134 : i32
        %select_n3A_136 = arith.select %eq3A_87, %sub3A_89, %select_n3A_135 : i32
        %eq3A_137 = arith.constant 0 : i32
        %eq3A_138 = arith.cmpi eq, %select_n3A_85, %eq3A_137 : i32
        %add3A_139 = arith.constant 16 : i32
        %add3A_140 = arith.addi %add3A_139, %select_n3A_42 : i32
        %sub3A_141 = arith.constant 1 : i32
        %sub3A_142 = arith.subi %add3A_140, %sub3A_141 : i32
        %eq3A_143 = arith.constant 1 : i32
        %eq3A_144 = arith.cmpi eq, %select_n3A_85, %eq3A_143 : i32
        %add3A_145 = arith.constant 224 : i32
        %add3A_146 = arith.addi %add3A_145, %select_n3A_42 : i32
        %sub3A_147 = arith.constant 1 : i32
        %sub3A_148 = arith.subi %add3A_146, %sub3A_147 : i32
        %eq3A_149 = arith.constant 2 : i32
        %eq3A_150 = arith.cmpi eq, %select_n3A_85, %eq3A_149 : i32
        %sub3A_151 = arith.constant 1 : i32
        %sub3A_152 = arith.subi %select_n3A, %sub3A_151 : i32
        %mul3A_153 = arith.constant 16 : i32
        %mul3A_154 = arith.muli %mul3A_153, %sub3A_152 : i32
        %add3A_155 = arith.constant 1 : i32
        %add3A_156 = arith.addi %mul3A_154, %add3A_155 : i32
        %eq3A_157 = arith.constant 3 : i32
        %eq3A_158 = arith.cmpi eq, %select_n3A_85, %eq3A_157 : i32
        %sub3A_159 = arith.constant 1 : i32
        %sub3A_160 = arith.subi %select_n3A, %sub3A_159 : i32
        %mul3A_161 = arith.constant 16 : i32
        %mul3A_162 = arith.muli %mul3A_161, %sub3A_160 : i32
        %add3A_163 = arith.constant 14 : i32
        %add3A_164 = arith.addi %mul3A_162, %add3A_163 : i32
        %select_n3A_165 = arith.select %eq3A_158, %add3A_164, %select_n3A_136 : i32
        %select_n3A_166 = arith.select %eq3A_150, %add3A_156, %select_n3A_165 : i32
        %select_n3A_167 = arith.select %eq3A_144, %sub3A_148, %select_n3A_166 : i32
        %select_n3A_168 = arith.select %eq3A_138, %sub3A_142, %select_n3A_167 : i32
        %convert_element_type3A_169 = arith.extui %and3A_52 : i1 to i32
        %cond3A_170 = arith.constant 0 : i32
        %cond3A_171 = arith.cmpi ne, %convert_element_type3A_169, %cond3A_170 : i32
        scf.if %cond3A_171 {
          %dma_start3A = arith.constant 0 : i32
          %dma_start3A_176 = arith.constant 0 : i32
          %dma_start3A_177 = tpu.memref_slice %arg2[%dma_start3A, %select_n3A_136, %dma_start3A_176] : memref<96x256x1024xf32, #tpu.memory_space<hbm>> -> memref<48x1x1024xf32, #tpu.memory_space<hbm>>
          %dma_start3A_178 = tpu.memref_squeeze %dma_start3A_177 : memref<48x1x1024xf32, #tpu.memory_space<hbm>> -> memref<48x1024xf32, #tpu.memory_space<hbm>>
          %dma_start3A_179 = arith.constant 0 : i32
          %dma_start3A_180 = arith.constant 0 : i32
          %dma_start3A_181 = tpu.memref_slice %arg2[%dma_start3A_179, %select_n3A_136, %dma_start3A_180] : memref<96x256x1024xf32, #tpu.memory_space<hbm>> -> memref<48x1x1024xf32, #tpu.memory_space<hbm>>
          %dma_start3A_182 = tpu.memref_squeeze %dma_start3A_181 : memref<48x1x1024xf32, #tpu.memory_space<hbm>> -> memref<48x1024xf32, #tpu.memory_space<hbm>>
          tpu.enqueue_dma source(%dma_start3A_182 : memref<48x1024xf32, #tpu.memory_space<hbm>>) target(%arg6 : memref<48x1024xf32, #tpu.memory_space<vmem>>) target_semaphore(%arg10 : memref<!tpu.dma_semaphore, #tpu.memory_space<semaphore_mem>>)
          %dma_start3A_183 = arith.constant 48 : i32
          %dma_start3A_184 = arith.constant 0 : i32
          %dma_start3A_185 = tpu.memref_slice %arg2[%dma_start3A_183, %select_n3A_136, %dma_start3A_184] : memref<96x256x1024xf32, #tpu.memory_space<hbm>> -> memref<48x1x1024xf32, #tpu.memory_space<hbm>>
          %dma_start3A_186 = tpu.memref_squeeze %dma_start3A_185 : memref<48x1x1024xf32, #tpu.memory_space<hbm>> -> memref<48x1024xf32, #tpu.memory_space<hbm>>
          %dma_start3A_187 = arith.constant 48 : i32
          %dma_start3A_188 = arith.constant 0 : i32
          %dma_start3A_189 = tpu.memref_slice %arg2[%dma_start3A_187, %select_n3A_136, %dma_start3A_188] : memref<96x256x1024xf32, #tpu.memory_space<hbm>> -> memref<48x1x1024xf32, #tpu.memory_space<hbm>>
          %dma_start3A_190 = tpu.memref_squeeze %dma_start3A_189 : memref<48x1x1024xf32, #tpu.memory_space<hbm>> -> memref<48x1024xf32, #tpu.memory_space<hbm>>
          tpu.enqueue_dma source(%dma_start3A_190 : memref<48x1024xf32, #tpu.memory_space<hbm>>) target(%arg7 : memref<48x1024xf32, #tpu.memory_space<vmem>>) target_semaphore(%arg11 : memref<!tpu.dma_semaphore, #tpu.memory_space<semaphore_mem>>)
          %dma_wait3A = arith.constant 0 : i32
          %dma_wait3A_191 = arith.constant 0 : i32
          %dma_wait3A_192 = tpu.memref_slice %arg2[%dma_wait3A, %select_n3A_136, %dma_wait3A_191] : memref<96x256x1024xf32, #tpu.memory_space<hbm>> -> memref<48x1x1024xf32, #tpu.memory_space<hbm>>
          %dma_wait3A_193 = tpu.memref_squeeze %dma_wait3A_192 : memref<48x1x1024xf32, #tpu.memory_space<hbm>> -> memref<48x1024xf32, #tpu.memory_space<hbm>>
          %dma_wait3A_194 = arith.constant 0 : i32
          %dma_wait3A_195 = arith.constant 0 : i32
          %dma_wait3A_196 = tpu.memref_slice %arg2[%dma_wait3A_194, %select_n3A_136, %dma_wait3A_195] : memref<96x256x1024xf32, #tpu.memory_space<hbm>> -> memref<48x1x1024xf32, #tpu.memory_space<hbm>>
          %dma_wait3A_197 = tpu.memref_squeeze %dma_wait3A_196 : memref<48x1x1024xf32, #tpu.memory_space<hbm>> -> memref<48x1024xf32, #tpu.memory_space<hbm>>
          tpu.wait_dma2 semaphore(%arg10 : memref<!tpu.dma_semaphore, #tpu.memory_space<semaphore_mem>>) src(%dma_wait3A_197 : memref<48x1024xf32, #tpu.memory_space<hbm>>) dst(%arg6 : memref<48x1024xf32, #tpu.memory_space<vmem>>)
          %dma_wait3A_198 = arith.constant 48 : i32
          %dma_wait3A_199 = arith.constant 0 : i32
          %dma_wait3A_200 = tpu.memref_slice %arg2[%dma_wait3A_198, %select_n3A_136, %dma_wait3A_199] : memref<96x256x1024xf32, #tpu.memory_space<hbm>> -> memref<48x1x1024xf32, #tpu.memory_space<hbm>>
          %dma_wait3A_201 = tpu.memref_squeeze %dma_wait3A_200 : memref<48x1x1024xf32, #tpu.memory_space<hbm>> -> memref<48x1024xf32, #tpu.memory_space<hbm>>
          %dma_wait3A_202 = arith.constant 48 : i32
          %dma_wait3A_203 = arith.constant 0 : i32
          %dma_wait3A_204 = tpu.memref_slice %arg2[%dma_wait3A_202, %select_n3A_136, %dma_wait3A_203] : memref<96x256x1024xf32, #tpu.memory_space<hbm>> -> memref<48x1x1024xf32, #tpu.memory_space<hbm>>
          %dma_wait3A_205 = tpu.memref_squeeze %dma_wait3A_204 : memref<48x1x1024xf32, #tpu.memory_space<hbm>> -> memref<48x1024xf32, #tpu.memory_space<hbm>>
          tpu.wait_dma2 semaphore(%arg11 : memref<!tpu.dma_semaphore, #tpu.memory_space<semaphore_mem>>) src(%dma_wait3A_205 : memref<48x1024xf32, #tpu.memory_space<hbm>>) dst(%arg7 : memref<48x1024xf32, #tpu.memory_space<vmem>>)
          %dma_start3A_206 = arith.constant 0 : i32
          %dma_start3A_207 = arith.constant 0 : i32
          %dma_start3A_208 = tpu.memref_slice %arg5[%add3A_9, %dma_start3A_206, %dma_start3A_207] : memref<324x96x1024xf32, #tpu.memory_space<hbm>> -> memref<1x48x1024xf32, #tpu.memory_space<hbm>>
          %dma_start3A_209 = tpu.memref_squeeze %dma_start3A_208 : memref<1x48x1024xf32, #tpu.memory_space<hbm>> -> memref<48x1024xf32, #tpu.memory_space<hbm>>
          %dma_start3A_210 = arith.constant 0 : i32
          %dma_start3A_211 = arith.constant 0 : i32
          %dma_start3A_212 = tpu.memref_slice %arg5[%add3A_9, %dma_start3A_210, %dma_start3A_211] : memref<324x96x1024xf32, #tpu.memory_space<hbm>> -> memref<1x48x1024xf32, #tpu.memory_space<hbm>>
          %dma_start3A_213 = tpu.memref_squeeze %dma_start3A_212 : memref<1x48x1024xf32, #tpu.memory_space<hbm>> -> memref<48x1024xf32, #tpu.memory_space<hbm>>
          tpu.enqueue_dma source(%arg6 : memref<48x1024xf32, #tpu.memory_space<vmem>>) target(%dma_start3A_213 : memref<48x1024xf32, #tpu.memory_space<hbm>>) target_semaphore(%arg10 : memref<!tpu.dma_semaphore, #tpu.memory_space<semaphore_mem>>)
          %dma_start3A_214 = arith.constant 48 : i32
          %dma_start3A_215 = arith.constant 0 : i32
          %dma_start3A_216 = tpu.memref_slice %arg5[%add3A_9, %dma_start3A_214, %dma_start3A_215] : memref<324x96x1024xf32, #tpu.memory_space<hbm>> -> memref<1x48x1024xf32, #tpu.memory_space<hbm>>
          %dma_start3A_217 = tpu.memref_squeeze %dma_start3A_216 : memref<1x48x1024xf32, #tpu.memory_space<hbm>> -> memref<48x1024xf32, #tpu.memory_space<hbm>>
          %dma_start3A_218 = arith.constant 48 : i32
          %dma_start3A_219 = arith.constant 0 : i32
          %dma_start3A_220 = tpu.memref_slice %arg5[%add3A_9, %dma_start3A_218, %dma_start3A_219] : memref<324x96x1024xf32, #tpu.memory_space<hbm>> -> memref<1x48x1024xf32, #tpu.memory_space<hbm>>
          %dma_start3A_221 = tpu.memref_squeeze %dma_start3A_220 : memref<1x48x1024xf32, #tpu.memory_space<hbm>> -> memref<48x1024xf32, #tpu.memory_space<hbm>>
          tpu.enqueue_dma source(%arg7 : memref<48x1024xf32, #tpu.memory_space<vmem>>) target(%dma_start3A_221 : memref<48x1024xf32, #tpu.memory_space<hbm>>) target_semaphore(%arg11 : memref<!tpu.dma_semaphore, #tpu.memory_space<semaphore_mem>>)
          %dma_wait3A_222 = arith.constant 0 : i32
          %dma_wait3A_223 = arith.constant 0 : i32
          %dma_wait3A_224 = tpu.memref_slice %arg5[%add3A_9, %dma_wait3A_222, %dma_wait3A_223] : memref<324x96x1024xf32, #tpu.memory_space<hbm>> -> memref<1x48x1024xf32, #tpu.memory_space<hbm>>
          %dma_wait3A_225 = tpu.memref_squeeze %dma_wait3A_224 : memref<1x48x1024xf32, #tpu.memory_space<hbm>> -> memref<48x1024xf32, #tpu.memory_space<hbm>>
          %dma_wait3A_226 = arith.constant 0 : i32
          %dma_wait3A_227 = arith.constant 0 : i32
          %dma_wait3A_228 = tpu.memref_slice %arg5[%add3A_9, %dma_wait3A_226, %dma_wait3A_227] : memref<324x96x1024xf32, #tpu.memory_space<hbm>> -> memref<1x48x1024xf32, #tpu.memory_space<hbm>>
          %dma_wait3A_229 = tpu.memref_squeeze %dma_wait3A_228 : memref<1x48x1024xf32, #tpu.memory_space<hbm>> -> memref<48x1024xf32, #tpu.memory_space<hbm>>
          tpu.wait_dma2 semaphore(%arg10 : memref<!tpu.dma_semaphore, #tpu.memory_space<semaphore_mem>>) src(%arg6 : memref<48x1024xf32, #tpu.memory_space<vmem>>) dst(%dma_wait3A_229 : memref<48x1024xf32, #tpu.memory_space<hbm>>)
          %dma_wait3A_230 = arith.constant 48 : i32
          %dma_wait3A_231 = arith.constant 0 : i32
          %dma_wait3A_232 = tpu.memref_slice %arg5[%add3A_9, %dma_wait3A_230, %dma_wait3A_231] : memref<324x96x1024xf32, #tpu.memory_space<hbm>> -> memref<1x48x1024xf32, #tpu.memory_space<hbm>>
          %dma_wait3A_233 = tpu.memref_squeeze %dma_wait3A_232 : memref<1x48x1024xf32, #tpu.memory_space<hbm>> -> memref<48x1024xf32, #tpu.memory_space<hbm>>
          %dma_wait3A_234 = arith.constant 48 : i32
          %dma_wait3A_235 = arith.constant 0 : i32
          %dma_wait3A_236 = tpu.memref_slice %arg5[%add3A_9, %dma_wait3A_234, %dma_wait3A_235] : memref<324x96x1024xf32, #tpu.memory_space<hbm>> -> memref<1x48x1024xf32, #tpu.memory_space<hbm>>
          %dma_wait3A_237 = tpu.memref_squeeze %dma_wait3A_236 : memref<1x48x1024xf32, #tpu.memory_space<hbm>> -> memref<48x1024xf32, #tpu.memory_space<hbm>>
          tpu.wait_dma2 semaphore(%arg11 : memref<!tpu.dma_semaphore, #tpu.memory_space<semaphore_mem>>) src(%arg7 : memref<48x1024xf32, #tpu.memory_space<vmem>>) dst(%dma_wait3A_237 : memref<48x1024xf32, #tpu.memory_space<hbm>>)
        } else {
        }
        %not3A = arith.constant true
        %not3A_172 = arith.xori %and3A_52, %not3A : i1
        %convert_element_type3A_173 = arith.extui %not3A_172 : i1 to i32
        %cond3A_174 = arith.constant 0 : i32
        %cond3A_175 = arith.cmpi ne, %convert_element_type3A_173, %cond3A_174 : i32
        scf.if %cond3A_175 {
          %scan3A_176 = arith.constant 0 : i32
          %scan3A_177 = arith.constant 0 : i32
          %scan3A_178 = arith.constant 2 : i32
          %scan3A_179 = arith.addi %scan3A_177, %scan3A_178 : i32
          %scan3A_180 = arith.constant 1 : i32
          scf.for %scan3A_182 = %scan3A_177 to %scan3A_179 step %scan3A_180  : i32 {
            %mul3A_183 = arith.constant 48 : i32
            %mul3A_184 = arith.muli %scan3A_182, %mul3A_183 : i32
            %dma_start3A = arith.constant 0 : i32
            %dma_start3A_185 = tpu.memref_slice %arg2[%mul3A_184, %select_n3A_136, %dma_start3A] : memref<96x256x1024xf32, #tpu.memory_space<hbm>> -> memref<48x1x1024xf32, #tpu.memory_space<hbm>>
            %dma_start3A_186 = tpu.memref_squeeze %dma_start3A_185 : memref<48x1x1024xf32, #tpu.memory_space<hbm>> -> memref<48x1024xf32, #tpu.memory_space<hbm>>
            %dma_start3A_187 = arith.constant 0 : i32
            %dma_start3A_188 = tpu.memref_slice %arg2[%mul3A_184, %select_n3A_136, %dma_start3A_187] : memref<96x256x1024xf32, #tpu.memory_space<hbm>> -> memref<48x1x1024xf32, #tpu.memory_space<hbm>>
            %dma_start3A_189 = tpu.memref_squeeze %dma_start3A_188 : memref<48x1x1024xf32, #tpu.memory_space<hbm>> -> memref<48x1024xf32, #tpu.memory_space<hbm>>
            tpu.enqueue_dma source(%dma_start3A_189 : memref<48x1024xf32, #tpu.memory_space<hbm>>) target(%arg6 : memref<48x1024xf32, #tpu.memory_space<vmem>>) target_semaphore(%arg10 : memref<!tpu.dma_semaphore, #tpu.memory_space<semaphore_mem>>)
            %dma_start3A_190 = arith.constant 0 : i32
            %dma_start3A_191 = tpu.memref_slice %arg2[%mul3A_184, %select_n3A_168, %dma_start3A_190] : memref<96x256x1024xf32, #tpu.memory_space<hbm>> -> memref<48x1x1024xf32, #tpu.memory_space<hbm>>
            %dma_start3A_192 = tpu.memref_squeeze %dma_start3A_191 : memref<48x1x1024xf32, #tpu.memory_space<hbm>> -> memref<48x1024xf32, #tpu.memory_space<hbm>>
            %dma_start3A_193 = arith.constant 0 : i32
            %dma_start3A_194 = tpu.memref_slice %arg2[%mul3A_184, %select_n3A_168, %dma_start3A_193] : memref<96x256x1024xf32, #tpu.memory_space<hbm>> -> memref<48x1x1024xf32, #tpu.memory_space<hbm>>
            %dma_start3A_195 = tpu.memref_squeeze %dma_start3A_194 : memref<48x1x1024xf32, #tpu.memory_space<hbm>> -> memref<48x1024xf32, #tpu.memory_space<hbm>>
            tpu.enqueue_dma source(%dma_start3A_195 : memref<48x1024xf32, #tpu.memory_space<hbm>>) target(%arg7 : memref<48x1024xf32, #tpu.memory_space<vmem>>) target_semaphore(%arg11 : memref<!tpu.dma_semaphore, #tpu.memory_space<semaphore_mem>>)
            %dma_wait3A = arith.constant 0 : i32
            %dma_wait3A_196 = tpu.memref_slice %arg2[%mul3A_184, %select_n3A_136, %dma_wait3A] : memref<96x256x1024xf32, #tpu.memory_space<hbm>> -> memref<48x1x1024xf32, #tpu.memory_space<hbm>>
            %dma_wait3A_197 = tpu.memref_squeeze %dma_wait3A_196 : memref<48x1x1024xf32, #tpu.memory_space<hbm>> -> memref<48x1024xf32, #tpu.memory_space<hbm>>
            %dma_wait3A_198 = arith.constant 0 : i32
            %dma_wait3A_199 = tpu.memref_slice %arg2[%mul3A_184, %select_n3A_136, %dma_wait3A_198] : memref<96x256x1024xf32, #tpu.memory_space<hbm>> -> memref<48x1x1024xf32, #tpu.memory_space<hbm>>
            %dma_wait3A_200 = tpu.memref_squeeze %dma_wait3A_199 : memref<48x1x1024xf32, #tpu.memory_space<hbm>> -> memref<48x1024xf32, #tpu.memory_space<hbm>>
            tpu.wait_dma2 semaphore(%arg10 : memref<!tpu.dma_semaphore, #tpu.memory_space<semaphore_mem>>) src(%dma_wait3A_200 : memref<48x1024xf32, #tpu.memory_space<hbm>>) dst(%arg6 : memref<48x1024xf32, #tpu.memory_space<vmem>>)
            %dma_wait3A_201 = arith.constant 0 : i32
            %dma_wait3A_202 = tpu.memref_slice %arg2[%mul3A_184, %select_n3A_168, %dma_wait3A_201] : memref<96x256x1024xf32, #tpu.memory_space<hbm>> -> memref<48x1x1024xf32, #tpu.memory_space<hbm>>
            %dma_wait3A_203 = tpu.memref_squeeze %dma_wait3A_202 : memref<48x1x1024xf32, #tpu.memory_space<hbm>> -> memref<48x1024xf32, #tpu.memory_space<hbm>>
            %dma_wait3A_204 = arith.constant 0 : i32
            %dma_wait3A_205 = tpu.memref_slice %arg2[%mul3A_184, %select_n3A_168, %dma_wait3A_204] : memref<96x256x1024xf32, #tpu.memory_space<hbm>> -> memref<48x1x1024xf32, #tpu.memory_space<hbm>>
            %dma_wait3A_206 = tpu.memref_squeeze %dma_wait3A_205 : memref<48x1x1024xf32, #tpu.memory_space<hbm>> -> memref<48x1024xf32, #tpu.memory_space<hbm>>
            tpu.wait_dma2 semaphore(%arg11 : memref<!tpu.dma_semaphore, #tpu.memory_space<semaphore_mem>>) src(%dma_wait3A_206 : memref<48x1024xf32, #tpu.memory_space<hbm>>) dst(%arg7 : memref<48x1024xf32, #tpu.memory_space<vmem>>)
            %lt3A_207 = arith.constant 4 : i32
            %lt3A_208 = arith.cmpi slt, %select_n3A_85, %lt3A_207 : i32
            %jit3A_209 = arith.constant 1.000000e+00 : f32
            %jit3A_210 = arith.constant 0.000000e+00 : f32
            %select_n3A_211 = arith.select %lt3A_208, %jit3A_209, %jit3A_210 : f32
            %scan3A_212 = arith.constant 0 : i32
            %scan3A_213 = arith.constant 0 : i32
            %scan3A_214 = arith.constant 48 : i32
            %scan3A_215 = arith.addi %scan3A_213, %scan3A_214 : i32
            %scan3A_216 = arith.constant 1 : i32
            scf.for %scan3A_218 = %scan3A_213 to %scan3A_215 step %scan3A_216  : i32 {
              %add3A_219 = arith.addi %mul3A_184, %scan3A_218 : i32
              %jit3A_220 = arith.constant 8 : i32
              %div3A_221 = arith.divsi %add3A_219, %jit3A_220 : i32
              %sign3A_222 = arith.constant 0 : i32
              %sign3A_223 = arith.cmpi sgt, %add3A_219, %sign3A_222 : i32
              %sign3A_224 = arith.extui %sign3A_223 : i1 to i32
              %sign3A_225 = arith.constant 0 : i32
              %sign3A_226 = arith.cmpi slt, %add3A_219, %sign3A_225 : i32
              %sign3A_227 = arith.extui %sign3A_226 : i1 to i32
              %sign3A_228 = arith.subi %sign3A_224, %sign3A_227 : i32
              %sign3A_229 = arith.constant 0 : i32
              %sign3A_230 = arith.cmpi sgt, %jit3A_220, %sign3A_229 : i32
              %sign3A_231 = arith.extui %sign3A_230 : i1 to i32
              %sign3A_232 = arith.constant 0 : i32
              %sign3A_233 = arith.cmpi slt, %jit3A_220, %sign3A_232 : i32
              %sign3A_234 = arith.extui %sign3A_233 : i1 to i32
              %sign3A_235 = arith.subi %sign3A_231, %sign3A_234 : i32
              %ne3A_236 = arith.cmpi ne, %sign3A_228, %sign3A_235 : i32
              %rem3A_237 = arith.remsi %add3A_219, %jit3A_220 : i32
              %ne3A_238 = arith.constant 0 : i32
              %ne3A_239 = arith.cmpi ne, %rem3A_237, %ne3A_238 : i32
              %and3A_240 = arith.andi %ne3A_236, %ne3A_239 : i1
              %sub3A_241 = arith.constant 1 : i32
              %sub3A_242 = arith.subi %div3A_221, %sub3A_241 : i32
              %select_n3A_243 = arith.select %and3A_240, %sub3A_242, %div3A_221 : i32
              %jit3A_244 = arith.constant 8 : i32
              %eq3A_245 = arith.constant 0 : i32
              %eq3A_246 = arith.cmpi eq, %jit3A_244, %eq3A_245 : i32
              %jit3A_247 = arith.constant 1 : i32
              %select_n3A_248 = arith.select %eq3A_246, %jit3A_247, %jit3A_244 : i32
              %rem3A_249 = arith.remsi %add3A_219, %select_n3A_248 : i32
              %ne3A_250 = arith.constant 0 : i32
              %ne3A_251 = arith.cmpi ne, %rem3A_249, %ne3A_250 : i32
              %lt3A_252 = arith.constant 0 : i32
              %lt3A_253 = arith.cmpi slt, %rem3A_249, %lt3A_252 : i32
              %lt3A_254 = arith.constant 0 : i32
              %lt3A_255 = arith.cmpi slt, %select_n3A_248, %lt3A_254 : i32
              %ne3A_256 = arith.xori %lt3A_253, %lt3A_255 : i1
              %and3A_257 = arith.andi %ne3A_256, %ne3A_251 : i1
              %add3A_258 = arith.addi %rem3A_249, %select_n3A_248 : i32
              %select_n3A_259 = arith.select %and3A_257, %add3A_258, %rem3A_249 : i32
              %mul3A_260 = arith.constant 16 : i32
              %mul3A_261 = arith.muli %select_n3A_259, %mul3A_260 : i32
              %get3A = arith.index_cast %select_n3A_85 : i32 to index
              %get3A_262 = arith.index_cast %select_n3A_243 : i32 to index
              %get3A_263 = arith.index_cast %mul3A_261 : i32 to index
              %get3A_264 = tpu.vector_load %arg8[%get3A, %get3A_262, %get3A_263] {strides = array<i32>} : memref<9x12x128xf32, #tpu.memory_space<vmem>>, vector<1x1x16xf32>,
              %get3A_265 = vector.shape_cast %get3A_264 : vector<1x1x16xf32> to vector<16xf32>
              %sub3A_266 = arith.constant 1.000000e+00 : f32
              %sub3A_267 = vector.broadcast %sub3A_266 : f32 to vector<16xf32>
              %sub3A_268 = arith.subf %sub3A_267, %get3A_265 : vector<16xf32>
              %mul3A_269 = vector.broadcast %select_n3A_211 : f32 to vector<16xf32>
              %mul3A_270 = arith.mulf %sub3A_268, %mul3A_269 : vector<16xf32>
              %scan3A_271 = arith.constant 0 : i32
              %scan3A_272 = arith.constant 0 : i32
              %scan3A_273 = arith.constant 64 : i32
              %scan3A_274 = arith.addi %scan3A_272, %scan3A_273 : i32
              %scan3A_275 = arith.constant 1 : i32
              scf.for %scan3A_277 = %scan3A_272 to %scan3A_274 step %scan3A_275  : i32 {
                %mul3A_278 = arith.constant 16 : i32
                %mul3A_279 = arith.muli %mul3A_278, %scan3A_277 : i32
                %get3A_280 = arith.index_cast %scan3A_218 : i32 to index
                %get3A_281 = arith.index_cast %mul3A_279 : i32 to index
                %get3A_282 = tpu.vector_load %arg6[%get3A_280, %get3A_281] {strides = array<i32>} : memref<48x1024xf32, #tpu.memory_space<vmem>>, vector<1x16xf32>,
                %get3A_283 = vector.shape_cast %get3A_282 : vector<1x16xf32> to vector<16xf32>
                %mul3A_284 = arith.constant 16 : i32
                %mul3A_285 = arith.muli %mul3A_284, %scan3A_277 : i32
                %get3A_286 = arith.index_cast %scan3A_218 : i32 to index
                %get3A_287 = arith.index_cast %mul3A_285 : i32 to index
                %get3A_288 = tpu.vector_load %arg7[%get3A_286, %get3A_287] {strides = array<i32>} : memref<48x1024xf32, #tpu.memory_space<vmem>>, vector<1x16xf32>,
                %get3A_289 = vector.shape_cast %get3A_288 : vector<1x16xf32> to vector<16xf32>
                %jit3A_290 = arith.constant 4 : i32
                %eq3A_291 = arith.constant 0 : i32
                %eq3A_292 = arith.cmpi eq, %jit3A_290, %eq3A_291 : i32
                %jit3A_293 = arith.constant 1 : i32
                %select_n3A_294 = arith.select %eq3A_292, %jit3A_293, %jit3A_290 : i32
                %rem3A_295 = arith.remsi %scan3A_277, %select_n3A_294 : i32
                %ne3A_296 = arith.constant 0 : i32
                %ne3A_297 = arith.cmpi ne, %rem3A_295, %ne3A_296 : i32
                %lt3A_298 = arith.constant 0 : i32
                %lt3A_299 = arith.cmpi slt, %rem3A_295, %lt3A_298 : i32
                %lt3A_300 = arith.constant 0 : i32
                %lt3A_301 = arith.cmpi slt, %select_n3A_294, %lt3A_300 : i32
                %ne3A_302 = arith.xori %lt3A_299, %lt3A_301 : i1
                %and3A_303 = arith.andi %ne3A_302, %ne3A_297 : i1
                %add3A_304 = arith.addi %rem3A_295, %select_n3A_294 : i32
                %select_n3A_305 = arith.select %and3A_303, %add3A_304, %rem3A_295 : i32
                %get3A_306 = arith.index_cast %select_n3A_85 : i32 to index
                %get3A_307 = arith.index_cast %select_n3A_305 : i32 to index
                %get3A_308 = arith.constant 0 : index
                %get3A_309 = tpu.vector_load %arg9[%get3A_306, %get3A_307, %get3A_308] {strides = array<i32>} : memref<9x4x16xf32, #tpu.memory_space<vmem>>, vector<1x1x16xf32>,
                %get3A_310 = vector.shape_cast %get3A_309 : vector<1x1x16xf32> to vector<16xf32>
                %mul3A_311 = arith.mulf %get3A_265, %get3A_283 : vector<16xf32>
                %mul3A_312 = arith.mulf %mul3A_270, %get3A_289 : vector<16xf32>
                %add3A_313 = arith.addf %mul3A_311, %mul3A_312 : vector<16xf32>
                %mul3A_314 = arith.mulf %get3A_310, %add3A_313 : vector<16xf32>
                %mul3A_315 = arith.constant 16 : i32
                %mul3A_316 = arith.muli %mul3A_315, %scan3A_277 : i32
                %swap3A = arith.index_cast %scan3A_218 : i32 to index
                %swap3A_317 = arith.index_cast %mul3A_316 : i32 to index
                %swap3A_318 = tpu.vector_load %arg6[%swap3A, %swap3A_317] {strides = array<i32>} : memref<48x1024xf32, #tpu.memory_space<vmem>>, vector<1x16xf32>,
                %swap3A_319 = vector.shape_cast %swap3A_318 : vector<1x16xf32> to vector<16xf32>
                %swap3A_320 = vector.shape_cast %mul3A_314 : vector<16xf32> to vector<1x16xf32>
                tpu.vector_store %arg6[%swap3A, %swap3A_317], %swap3A_320 {strides = array<i32>} : memref<48x1024xf32, #tpu.memory_space<vmem>>, vector<1x16xf32>,
              }
              %scan3A_276 = arith.constant 64 : i32
            }
            %scan3A_217 = arith.constant 48 : i32
            "tpu.region"() ({
              %run_scoped3A = tpu.sem_alloc : memref<!tpu.dma_semaphore, #tpu.memory_space<semaphore_mem>>
              %dma_start3A_218 = arith.constant 0 : i32
              %dma_start3A_219 = tpu.memref_slice %arg5[%add3A_9, %mul3A_184, %dma_start3A_218] : memref<324x96x1024xf32, #tpu.memory_space<hbm>> -> memref<1x48x1024xf32, #tpu.memory_space<hbm>>
              %dma_start3A_220 = tpu.memref_squeeze %dma_start3A_219 : memref<1x48x1024xf32, #tpu.memory_space<hbm>> -> memref<48x1024xf32, #tpu.memory_space<hbm>>
              %dma_start3A_221 = arith.constant 0 : i32
              %dma_start3A_222 = tpu.memref_slice %arg5[%add3A_9, %mul3A_184, %dma_start3A_221] : memref<324x96x1024xf32, #tpu.memory_space<hbm>> -> memref<1x48x1024xf32, #tpu.memory_space<hbm>>
              %dma_start3A_223 = tpu.memref_squeeze %dma_start3A_222 : memref<1x48x1024xf32, #tpu.memory_space<hbm>> -> memref<48x1024xf32, #tpu.memory_space<hbm>>
              tpu.enqueue_dma source(%arg6 : memref<48x1024xf32, #tpu.memory_space<vmem>>) target(%dma_start3A_223 : memref<48x1024xf32, #tpu.memory_space<hbm>>) target_semaphore(%run_scoped3A : memref<!tpu.dma_semaphore, #tpu.memory_space<semaphore_mem>>)
              %dma_wait3A_224 = arith.constant 0 : i32
              %dma_wait3A_225 = tpu.memref_slice %arg5[%add3A_9, %mul3A_184, %dma_wait3A_224] : memref<324x96x1024xf32, #tpu.memory_space<hbm>> -> memref<1x48x1024xf32, #tpu.memory_space<hbm>>
              %dma_wait3A_226 = tpu.memref_squeeze %dma_wait3A_225 : memref<1x48x1024xf32, #tpu.memory_space<hbm>> -> memref<48x1024xf32, #tpu.memory_space<hbm>>
              %dma_wait3A_227 = arith.constant 0 : i32
              %dma_wait3A_228 = tpu.memref_slice %arg5[%add3A_9, %mul3A_184, %dma_wait3A_227] : memref<324x96x1024xf32, #tpu.memory_space<hbm>> -> memref<1x48x1024xf32, #tpu.memory_space<hbm>>
              %dma_wait3A_229 = tpu.memref_squeeze %dma_wait3A_228 : memref<1x48x1024xf32, #tpu.memory_space<hbm>> -> memref<48x1024xf32, #tpu.memory_space<hbm>>
              tpu.wait_dma2 semaphore(%run_scoped3A : memref<!tpu.dma_semaphore, #tpu.memory_space<semaphore_mem>>) src(%arg6 : memref<48x1024xf32, #tpu.memory_space<vmem>>) dst(%dma_wait3A_229 : memref<48x1024xf32, #tpu.memory_space<hbm>>)
              tpu.yield
            }) : () -> ()
          }
          %scan3A_181 = arith.constant 2 : i32
        } else {
        }
      } else {
      }
    }
    %scan3A_5 = arith.constant 11 : i32
    return
  }
}

</mosaic_0001>

<sc_bundles>
// kernel: kernel.3.cloned.1.call-start
scs
__scs_entry_jumppad:
0x0: {  	(pc) =	sbr.rel $0x88, $3  }
0x1: {  	(tag) =	ssettag $0x0;
	lr =	simm.s32 $0x1  }
0x2: {  	[smem:$0x3F98] =	sst lr;
	_ =	strace $0xD0000000  }
0x3: {  	_ = 	snop  }
0x4: {  	_ = 	snop  }
0x5: {  	_ = 	snop  }
0x6: {  	_ = 	snop  }
0x7: {  	_ = 	snop  }
__scs_overlays_trampoline_lowered:
0x8: {  	[smem:$0x3FA7] =	sst s0  }
0x9: {  	[smem:$0x3FA8] =	sst s1  }
0xa: {  	[smem:$0x3FA9] =	sst s2  }
0xb: {  	[smem:$0x3FAA] =	sst s3  }
0xc: {  	[smem:$0x3FAB] =	sst s4  }
0xd: {  	[smem:$0x3FAC] =	sst s5  }
0xe: {  	[smem:$0x3FAD] =	sst s6  }
0xf: {  	[smem:$0x3FAE] =	sst s7  }
0x10: {  	[smem:$0x3FAF] =	sst s8  }
0x11: {  	[smem:$0x3FB0] =	sst s9;
	s0 =	simm.s32 @!p0 $0x0  }
0x12: {  	s1 =	sld [smem:$0x3F96];
	s0 =	simm.s32 @p0 $0x1  }
0x13: {  	[smem:$0x3FB1] =	sst s0;
	s0 =	simm.s32 @!p1 $0x0  }
0x14: {  	s2 =	sld [smem:$0x3F95];
	s0 =	simm.s32 @p1 $0x1  }
0x15: {  	[smem:$0x3FB2] =	sst s0;
	s0 =	simm.s32 @!p2 $0x0  }
0x16: {  	s3 =	sld [smem:$0x3FDB];
	s0 =	simm.s32 @p2 $0x1  }
0x17: {  	s4 =	simm.s32 $0x1BF5;
	[smem:$0x3FB4] =	sst s0  }
0x18: {  	s0 =	sld [smem:$0x3F97];
	_ =	swait.ge [sflag:s4], $0x0  }
0x19: {  	s7 =	sld [smem:$0x3F98]  }
0x1a: {  	s8 =	sadd.s32 $0xFFFFE003, lr  }
0x1b: {  	s9 =	sadd.s32 $0xFFFFFEF7, lr;
	s5 =	simm.s32 $0xFFFFFFFF;
	p2 =	slt.u32 s8, $0xFFFFF086  }
0x1c: {  	p1 =	slt.u32 s9, $0xF7A;
	s5 =	simm.s32 @!p2 $0x0  }
0x1d: {  	s5 =	simm.s32 @p1 $0x1;
	p0 =	seq.s32 s7, s2  }
0x1e: {  	s7 =	smul.u32 @!p0 $0xF7A, s2;
	p2 =	seq.s32 @!p0 s5, $0x0  }
0x1f: {  	s9 =	smul.u32 $0xF7A, s1;
	s8 =	simm.s32 @!p0 $0x1BF5;
	p2 =	por !p2, p0  }
0x20: {  	[sflag:s8] =	ssyncset.s32 @!p0 $0xFFFFF086;
	s6 =	sadd.s32 @!p0 s3, s7;
	s7 =	simm.s32 @!p0 $0x108  }
0x21: {  	s3 =	sadd.s32 s3, s9;
	s6 =	sadd.s32 @!p0 $0x88, s6;
	s7 =	simm.s32 @p2 $0x1082  }
0x22: {  	[simem:s7], [sflag:s8] =	dma.local @!p0 [hbm:s6], $0xF7A  }
0x23: {  	s9 =	sor.u32 $0xD0000000, s2;
	s6 =	simm.s32 $0x108;
	_ =	swait.ge @!p0 [sflag:s8], $0x0  }
0x24: {  	s3 =	sadd.s32 $0x88, s3;
	s6 =	simm.s32 @!p1 $0x1082;
	[sflag:s4] =	ssyncset.s32 $0xFFFFF086  }
0x25: {  	[simem:s6], [sflag:s4] =	dma.local [hbm:s3], $0xF7A  }
0x26: {  	[smem:$0x3F98] =	sst s1;
	(tag) =	ssettag s2;
	_ =	strace s9  }
0x27: {  	s1 =	sld [smem:$0x3FA8]  }
0x28: {  	s2 =	sld [smem:$0x3FA9]  }
0x29: {  	s4 =	sld [smem:$0x3FAB]  }
0x2a: {  	p0 =	seq.s32 s5, $0x0;
	s5 =	sld [smem:$0x3FAC]  }
0x2b: {  	s6 =	sld [smem:$0x3FAD]  }
0x2c: {  	s7 =	sld [smem:$0x3FAE]  }
0x2d: {  	s3 =	simm.s32 $0x108;
	s8 =	sld [smem:$0x3FAF]  }
0x2e: {  	s3 =	simm.s32 @!p0 $0x1082;
	s9 =	sld [smem:$0x3FB0]  }
0x2f: {  	lr =	sadd.s32 s0, s3;
	s0 =	sld [smem:$0x3FA7]  }
0x30: {  	s3 =	sld [smem:$0x3FAA]  }
0x31: {  	[smem:$0x3FB3] =	sst s10  }
0x32: {  	s10 =	sld [smem:$0x3FB1];
	_ =	sdelay $0x3  }
0x33: {  	p0 =	seq.s32 s10, $0x1;
	s10 =	sld [smem:$0x3FB3];
	_ =	sdelay $0x3  }
0x34: {  	[smem:$0x3FB3] =	sst s10  }
0x35: {  	s10 =	sld [smem:$0x3FB2];
	_ =	sdelay $0x3  }
0x36: {  	p1 =	seq.s32 s10, $0x1;
	s10 =	sld [smem:$0x3FB3];
	_ =	sdelay $0x3  }
0x37: {  	[smem:$0x3FB3] =	sst s10  }
0x38: {  	s10 =	sld [smem:$0x3FB4]  }
0x39: {  	_ = 	snop;
	(pc) =	sbr.ind lr, $3  }
0x3a: {  	_ = 	snop  }
0x3b: {  	_ = 	snop  }
0x3c: {  	p2 =	seq.s32 s10, $0x1;
	s10 =	sld [smem:$0x3FB3]  }
0x3d: {  	_ =	shalt  }
0x3e: {  	_ =	shalt  }
0x3f: {  	_ =	shalt  }
0x40: {  	_ =	shalt  }
0x41: {  	_ =	shalt  }
0x42: {  	_ =	shalt  }
0x43: {  	_ =	shalt  }
0x44: {  	_ =	shalt  }
0x45: {  	_ =	shalt  }
0x46: {  	_ =	shalt  }
0x47: {  	_ =	shalt  }
0x48: {  	_ =	shalt  }
0x49: {  	_ =	shalt  }
0x4a: {  	_ =	shalt  }
0x4b: {  	_ =	shalt  }
0x4c: {  	_ =	shalt  }
0x4d: {  	_ =	shalt  }
0x4e: {  	_ =	shalt  }
0x4f: {  	_ =	shalt  }
0x50: {  	_ =	shalt  }
0x51: {  	_ =	shalt  }
0x52: {  	_ =	shalt  }
0x53: {  	_ =	shalt  }
0x54: {  	_ =	shalt  }
0x55: {  	_ =	shalt  }
0x56: {  	_ =	shalt  }
0x57: {  	_ =	shalt  }
0x58: {  	_ =	shalt  }
0x59: {  	_ =	shalt  }
0x5a: {  	_ =	shalt  }
0x5b: {  	_ =	shalt  }
0x5c: {  	_ =	shalt  }
0x5d: {  	_ =	shalt  }
0x5e: {  	_ =	shalt  }
0x5f: {  	_ =	shalt  }
0x60: {  	_ =	shalt  }
0x61: {  	_ =	shalt  }
0x62: {  	_ =	shalt  }
0x63: {  	_ =	shalt  }
0x64: {  	_ =	shalt  }
0x65: {  	_ =	shalt  }
0x66: {  	_ =	shalt  }
0x67: {  	_ =	shalt  }
0x68: {  	_ =	shalt  }
0x69: {  	_ =	shalt  }
0x6a: {  	_ =	shalt  }
0x6b: {  	_ =	shalt  }
0x6c: {  	_ =	shalt  }
0x6d: {  	_ =	shalt  }
0x6e: {  	_ =	shalt  }
0x6f: {  	_ =	shalt  }
0x70: {  	_ =	shalt  }
0x71: {  	_ =	shalt  }
0x72: {  	_ =	shalt  }
0x73: {  	_ =	shalt  }
0x74: {  	_ =	shalt  }
0x75: {  	_ =	shalt  }
0x76: {  	_ =	shalt  }
0x77: {  	_ =	shalt  }
0x78: {  	_ =	shalt  }
0x79: {  	_ =	shalt  }
0x7a: {  	_ =	shalt  }
0x7b: {  	_ =	shalt  }
0x7c: {  	_ =	shalt  }
0x7d: {  	_ =	shalt  }
0x7e: {  	_ =	shalt  }
0x7f: {  	_ =	shalt  }
0x80: {  	_ =	shalt  }
0x81: {  	_ =	shalt  }
0x82: {  	_ =	shalt  }
0x83: {  	_ =	shalt  }
0x84: {  	_ =	shalt  }
0x85: {  	_ =	shalt  }
0x86: {  	_ =	shalt  }
0x87: {  	_ =	shalt  }
.Lfunc_end0:
.L_simem_size_0:
called_computation_lowered:
.L_overlay_start_0:
0x88: {  	s2 =	sld [smem:$0x3FD9]  }
0x89: {  	s3 =	sld [smem:$0x3FFE];
	_ =	sdelay $0x1  }
0x8a: {  	s1 =	srdreg.scid  }
0x8b: {  	s0 =	sand.u32 $0x1, s1  }
0x8c: {  	s17 =	sshll.u32 s0, $0xA;
	s2 =	sadd.s32 s3, s2  }
0x8d: {  	s2 =	sadd.s32 s2, s17  }
0x8e: {  	[smem:$0x3FBF] =	sst s2  }
0x8f: {  	_ = 	snop  }
0x90: {  	s2 =	sld [smem:$0x3FC9]  }
0x91: {  	s18 =	sld [smem:$0x3FD0];
	(tm) =	ssettm $0x1  }
0x92: {  	s4 =	sld [smem:$0x3FFB];
	_ =	sdelay $0x3  }
0x93: {  	_ =	strace s4  }
0x94: {  	s4 =	sld [smem:$0x3FFC];
	_ =	sdelay $0x3  }
0x95: {  	_ =	strace s4  }
0x96: {  	s4 =	sld [smem:$0x3FFD];
	_ =	sdelay $0x3  }
0x97: {  	_ =	strace s4  }
0x98: {  	_ =	strace $0x8FFFFFFF  }
0x99: {  	s19 =	sld [smem:$0x3FDB];
	_ =	sdelay $0x1  }
0x9a: {  	s5 =	simm.s32 $_scs_section_size  }
0x9b: {  	s6 =	simm.s32 $_size__tile_overlayer_lowered;
	s7 =	simm.s32 $_tile_overlayer_lowered  }
0x9c: {  	s22 =	simm.s32 $0x1BFF;
	s21 =	sshll.u32 s7, $0x1;
	s4 =	sadd.s32 s5, s19  }
0x9d: {  	s8 =	simm.s32 $0x0;
	s20 =	sshll.u32 s6, $0x1;
	s6 =	sadd.s32 s21, s4  }
0x9e: {  	[timem:s8], [sflag:s22] =	dma.local [hbm:s6], s20  }
0x9f: {  	_ =	swait.ge [sflag:s22], s20  }
0xa0: {  	s5 =	ssub.s32 $0x0, s20;
	[sflag:s22] =	ssyncset.done $0x0  }
0xa1: {  	[sflag:s22] =	ssyncadd.s32 s5;
	_ =	sdelay $0x1  }
0xa2: {  	s23 =	simm.s32 $0x1B8B  }
0xa3: {  	_ =	swait.ge [sflag:s23], $0x1  }
0xa4: {  	[sflag:s23] =	ssyncset.done $0x0  }
0xa5: {  	s25 =	simm.s32 $0x1B8E;
	s24 =	sld [smem:$0x3FFE];
	[sflag:s23] =	ssyncadd.s32 $0xFFFFFFFF  }
0xa6: {  	s26 =	simm.s32 $execute0_lowered;
	[smem:$0x3FD2] =	sst s25  }
0xa7: {  	s6 =	sshll.u32 s26, $0x1;
	_ =	strace $0x80000046;
	[dreg:$0x1] =	wrdreg $0xFFFFFFFF  }
0xa8: {  	s28 =	simm.s32 $_size_execute0_lowered;
	s4 =	sadd.s32 s4, s6;
	[dreg:$0x0] =	wrdreg $0x0  }
0xa9: {  	s6 =	sshll.u32 s28, $0x1;
	[dreg:$0x2] =	wrdreg s4  }
0xaa: {  	[dreg:$0x3] =	wrdreg s6  }
0xab: {  	[dreg:$0x4] =	wrdreg $0xC0  }
0xac: {  	_ =	task [dreg:s8], $0x5FFFF  }
0xad: {  	[dreg:$0x1] =	wrdreg $0xFFFFFFFF  }
0xae: {  	[dreg:$0x0] =	wrdreg $0x60  }
0xaf: {  	[dreg:$0x2] =	wrdreg s2  }
0xb0: {  	[dreg:$0x3] =	wrdreg s24  }
0xb1: {  	[dreg:$0x4] =	wrdreg s18  }
0xb2: {  	[dreg:$0x5] =	wrdreg $0x9  }
0xb3: {  	_ =	task.clear_ibuf [dreg:s8], $0x6FFFF;
	_ =	strace $0x90000046  }
0xb4: {  	s29 =	simm.s32 $0x9;
	_ =	strace $0x80000048  }
0xb5: {  	_ =	swait.ge [sflag:s29], $0x1  }
0xb6: {  	[sflag:s29] =	ssyncadd.s32 $0xFFFFFFFF  }
0xb7: {  	_ =	strace $0x90000048  }
0xb8: {  	_ =	sfence  }
0xb9: {  	s30 =	sld [smem:$0x0];
	_ =	sdelay $0x2  }
0xba: {  	s31 =	sshll.u32 s1, $0xD;
	s1 =	sshrl.u32 s1, $0x2  }
0xbb: {  	s3 =	sand.u32 $0x4000, s31;
	s1 =	sadd.s32 s1, s30  }
0xbc: {  	s0 =	sor.u32 s3, s0;
	s1 =	sshll.u32 s1, $0x11  }
0xbd: {  	s0 =	sor.u32 s1, s0  }
0xbe: {  	s0 =	sadd.s32 $0x8F2B, s0  }
0xbf: {  	[sflag:s0] =	ssyncadd.remote.s32 $0x1  }
0xc0: {  	_ =	sfence.sel $0xFFFF  }
0xc1: {  	[dreg:$0x0] =	wrdreg $0xFFFFFFFF;
	(pc) =	sbr.abs _section_cstart, $3  }
0xc2: {  	[dreg:$0x1] =	wrdreg $0xFFFFFFFF  }
0xc3: {  	_ =	task.clear_ibuf [dreg:s8], $0x2FFFF;
	_ =	strace $0x9FFFFFFF  }
0xc4: {  	(tm) =	ssettm $0x7FFFFFFF  }
0xc5: {  	_ =	shalt  }
tec
execute0_lowered:
.L_overlay_start_1:
0x0: {  	(tag) =	ssettag $0x1  }
0x1: {  	s1 =	rddreg [dreg:$0x0]  }
0x2: {  	s0 =	rddreg [dreg:$0x1]  }
0x3: {  	s2 =	rddreg [dreg:$0x2];
	s4 =	srdreg.scid  }
0x4: {  	s3 =	simm.s32 $0x0;
	s22 =	stileid.u32;
	s28 =	simm.s32 $0x3  }
0x5: {  	s30 =	simm.s32 $0x80;
	s31 =	simm.s32 $0x40000;
	s18 =	simm.s32 $0xC000  }
0x6: {  	s19 =	simm.s32 $0x0;
	s29 =	simm.s32 $0x0;
	s4 =	sand.u32 $0x1, s4  }
0x7: {  	[smem:$0x7FF] =	sst s3;
	s6 =	sadd.s32 $0xA00, s0;
	s7 =	sadd.s32 $0x600, s0  }
0x8: {  	s8 =	sshll.u32 s22, $0x1;
	s23 =	sadd.s32 $0xB00, s0;
	s24 =	sadd.s32 $0xC00, s0  }
0x9: {  	s25 =	sadd.s32 $0xD00, s0;
	_ =	strace $0x80000047;
	[dreg:$0x4] =	wrdreg s6  }
0xa: {  	s26 =	sadd.s32 $0xE00, s0;
	s14 =	sadd.s32 $0xF00, s0;
	[dreg:$0x5] =	wrdreg s7  }
.Ltmp0:
0xb: {  	s5 =	ssub.s32 $0x2, s4;
	[dreg:$0x7] =	wrdreg s23;
	(pc) =	sbr.rel .LBB2_1-.Ltmp0, $4  }
0xc: {  	s15 =	sadd.s32 $0x1000, s0;
	[dreg:$0x8] =	wrdreg s24;
	s21 =	sshrl.u32 s5, $0x1  }
0xd: {  	s16 =	sadd.s32 $0x1100, s0;
	[dreg:$0x9] =	wrdreg s25;
	s5 =	ssub.s32 s5, s21  }
0xe: {  	s17 =	sadd.s32 $0x1200, s0;
	[dreg:$0xa] =	wrdreg s26;
	s5 =	smax.u32 s5, $0x1  }
0xf: {  	s0 =	simm.s32 $0x1;
	[dreg:$0x6] =	wrdreg s5;
	s5 =	simm.s32 $0x2  }
.LBB2_20:
0x10: {  	s19 =	sadd.s32 $0x1, s19;
	s6 =	rddreg [dreg:$0x6]  }
0x11: {  	p0 =	sne.s32 s19, s6  }
.Ltmp1:
0x12: {  	_ = 	snop;
	(pc) =	sbr.rel @!p0 .LBB2_21-.Ltmp1, $1  }
0x13: {  	_ =	sdelay $0x3  }
.LBB2_1:
0x14: {  	s6 =	rddreg [dreg:$0x4];
	s7 =	simm.s32 $0x18000  }
0x15: {  	[tilespmem:s7], [sflag:$0x3] =	stream.linear.gather [hbm4b:s6+s3], $0x600, $0x38;
	[tilespmem:$0x1DA00] =	vst v63  }
0x16: {  	s25 =	rddreg [dreg:$0x7];
	s26 =	simm.s32 $0x18800  }
0x17: {  	[tilespmem:s26], [sflag:$0x3] =	stream.linear.gather [hbm4b:s25+s3], $0x600, $0x38;
	[tilespmem:$0x1DA00] =	vst v63  }
0x18: {  	s9 =	rddreg [dreg:$0x8];
	s10 =	simm.s32 $0x19000  }
0x19: {  	[tilespmem:s10], [sflag:$0x3] =	stream.linear.gather [hbm4b:s9+s3], $0x600, $0x38;
	[tilespmem:$0x1DA00] =	vst v63  }
0x1a: {  	s11 =	rddreg [dreg:$0x9];
	s12 =	simm.s32 $0x19800  }
0x1b: {  	[tilespmem:s12], [sflag:$0x3] =	stream.linear.gather [hbm4b:s11+s3], $0x600, $0x38;
	[tilespmem:$0x1DA00] =	vst v63  }
0x1c: {  	s13 =	rddreg [dreg:$0xa];
	s20 =	simm.s32 $0x1A000  }
0x1d: {  	[tilespmem:s20], [sflag:$0x3] =	stream.linear.gather [hbm4b:s13+s3], $0x600, $0x38;
	[tilespmem:$0x1DA00] =	vst v63  }
0x1e: {  	s21 =	simm.s32 $0x1A800  }
0x1f: {  	[tilespmem:s21], [sflag:$0x3] =	stream.linear.gather [hbm4b:s14+s3], $0x600, $0x38;
	[tilespmem:$0x1DA00] =	vst v63  }
0x20: {  	s22 =	simm.s32 $0x1B000  }
0x21: {  	[tilespmem:s22], [sflag:$0x3] =	stream.linear.gather [hbm4b:s15+s3], $0x600, $0x38;
	[tilespmem:$0x1DA00] =	vst v63  }
0x22: {  	s23 =	simm.s32 $0x1B800  }
0x23: {  	[tilespmem:s23], [sflag:$0x3] =	stream.linear.gather [hbm4b:s16+s3], $0x600, $0x38;
	[tilespmem:$0x1DA00] =	vst v63  }
0x24: {  	s24 =	simm.s32 $0x1C000  }
0x25: {  	[tilespmem:s24], [sflag:$0x3] =	stream.linear.gather [hbm4b:s17+s3], $0x600, $0x38;
	[tilespmem:$0x1DA00] =	vst v63  }
0x26: {  	_ =	swait.ge [sflag:s28], $0x3600  }
0x27: {  	s26 =	simm.s32 $0x1C800;
	[sflag:s28] =	ssyncset.done $0x0  }
.Ltmp2:
0x28: {  	s25 =	rddreg [dreg:$0x5];
	[sflag:s28] =	ssyncadd.s32 $0xFFFFCA00;
	(pc) =	sbr.rel .LBB2_2-.Ltmp2, $4  }
0x29: {  	[tilespmem:s26], [sflag:$0x3] =	stream.linear.gather [hbm4b:s25+s3], $0x1200, $0x38;
	[tilespmem:$0x1DA00] =	vst v63  }
0x2a: {  	_ =	swait.ge [sflag:s28], $0x1200  }
0x2b: {  	[sflag:s28] =	ssyncset.done $0x0  }
0x2c: {  	s20 =	simm.s32 $0x0;
	[sflag:s28] =	ssyncadd.s32 $0xFFFFEE00  }
.LBB2_19:
0x2d: {  	s20 =	sadd.s32 $0x1, s20  }
0x2e: {  	p0 =	sne.s32 s20, $0xB  }
.Ltmp3:
0x2f: {  	_ = 	snop;
	(pc) =	sbr.rel @!p0 .LBB2_20-.Ltmp3, $1  }
0x30: {  	_ =	sdelay $0x3  }
.LBB2_2:
0x31: {  	s6 =	sshll.u32 s20, $0x5  }
0x32: {  	s9 =	sor.u32 s8, s6  }
0x33: {  	p0 =	sgt.u32 s9, $0x143  }
.Ltmp4:
0x34: {  	_ = 	snop;
	(pc) =	sbr.rel @p0 .LBB2_19-.Ltmp4, $1  }
0x35: {  	_ =	sdelay $0x3  }
0x36: {  	s24 =	sor.u32 s4, s9  }
0x37: {  	s6 =	smulhi.u32 $0x38E38E39, s24;
	_ =	sdelay $0x1  }
0x38: {  	s7 =	smul.u32 $0xE38F, s9;
	s6 =	sshrl.u32 s6, $0x2  }
0x39: {  	s6 =	smul.u32 $0x12, s6  }
0x3a: {  	p0 =	slt.u32 s9, $0x12;
	s12 =	simm.s32 $0x5  }
0x3b: {  	s10 =	simm.s32 $0x7;
	s11 =	sshrl.u32 s7, $0x14;
	s7 =	ssub.s32 s24, s6  }
0x3c: {  	s6 =	simm.s32 $0x3;
	p2 =	seq.s32 s7, $0x11;
	p1 =	seq.s32 s7, $0x0  }
0x3d: {  	s12 =	simm.s32 @!p2 $0x0;
	s10 =	simm.s32 @!p2 $0x1;
	s6 =	simm.s32 @!p2 $0x8  }
0x3e: {  	p2 =	sgt.u32 s9, $0x131;
	s10 =	simm.s32 @p1 $0x6;
	s6 =	simm.s32 @p1 $0x2  }
0x3f: {  	s12 =	simm.s32 @p1 $0x4;
	s6 =	smov.u32 @p2 s10;
	s10 =	sshll.u32 s11, $0x4  }
0x40: {  	s13 =	sadd.s32 $0xFFFFFFFF, s7;
	s6 =	smov.u32 @p0 s12;
	s12 =	sadd.s32 $0xFFFFFFF0, s10  }
0x41: {  	p2 =	seq.s32 s6, $0x7;
	s9 =	sadd.s32 s13, s12  }
0x42: {  	p3 =	seq.s32 s6, $0x6;
	s9 =	simm.s32 @p2 $0xFF  }
0x43: {  	p2 =	seq.s32 s6, $0x5;
	s9 =	simm.s32 @p3 $0xF0  }
0x44: {  	s11 =	sadd.s32 $0xFFFFFFFF, s11;
	s9 =	simm.s32 @p2 $0xF  }
0x45: {  	s11 =	sor.u32 s13, s11;
	s21 =	smov.u32 s9  }
0x46: {  	s22 =	sadd.s32 $0xFFFFFFFF, s10;
	p4 =	slt.u32 s11, $0x10;
	s21 =	simm.s32 @p1 $0x0  }
.Ltmp5:
0x47: {  	p1 =	seq.s32 s6, $0x3;
	s9 =	smov.u32 @p0 s21;
	(pc) =	sbr.rel @p4 .LBB2_14-.Ltmp5, $4  }
0x48: {  	p2 =	seq.s32 s6, $0x2;
	s9 =	smov.u32 @p1 s22  }
0x49: {  	p0 =	seq.s32 s6, $0x1;
	s21 =	sadd.s32 $0xEF, s7;
	s9 =	smov.u32 @p2 s12  }
0x4a: {  	p3 =	seq.s32 s6, $0x0;
	s9 =	smov.u32 @p0 s21  }
0x4b: {  	s9 =	smov.u32 @p3 s13  }
0x4c: {  	s11 =	sadd.s32 $0xFFFFFFFE, s10;
	s12 =	smov.u32 s9  }
0x4d: {  	s10 =	sadd.s32 $0xFFFFFFF1, s10;
	s21 =	sshll.u32 s9, $0x7;
	s25 =	sshll.u32 s6, $0xB  }
0x4e: {  	s26 =	sshll.u32 s6, $0x9;
	s24 =	smul.u32 $0x18000, s24;
	s12 =	smov.u32 @p1 s11  }
0x4f: {  	s11 =	sadd.s32 $0xDF, s7;
	s7 =	sadd.s32 $0xF, s7;
	s12 =	smov.u32 @p2 s10  }
0x50: {  	p1 =	por $0x1, $0x1;
	s12 =	smov.u32 @p0 s11;
	s11 =	sshll.u32 s9, $0xA  }
0x51: {  	s9 =	sand.u32 $0x380, s21;
	p0 =	slt.u32 s6, $0x4;
	s6 =	sadd.s32 $0x1C800, s26  }
0x52: {  	s12 =	smov.u32 @p3 s7;
	s13 =	sand.u32 $0xFFFFE000, s11;
	s7 =	simm.f32 $1.000000000e+00  }
0x53: {  	s22 =	sshll.u32 s12, $0xA;
	s23 =	sshll.u32 s12, $0x7;
	s21 =	sor.u32 s9, s13  }
0x54: {  	s7 =	simm.s32 @!p0 $0x0;
	s10 =	sand.u32 $0xFFFFE000, s22;
	s11 =	sand.u32 $0x380, s23  }
0x55: {  	v1 =	vmov s6;
	s23 =	sor.u32 $0x18000, s25;
	v0 =	vmov s7;
	s25 =	simm.s32 $0x0;
	s22 =	sor.u32 s11, s10  }
.LBB2_5:
0x56: {  	s6 =	smul.u32 $0xC00000, s25;
	_ =	sdelay $0x1  }
0x57: {  	s7 =	sadd.s32 s21, s6  }
0x58: {  	s7 =	sshrl.u32 s7, $0x3  }
0x59: {  	s11 =	simm.s32 $0x0;
	s9 =	sadd.s32 s1, s7  }
0x5a: {  	[tilespmem:s11], [sflag:$0x1] =	stream.strided.gather [hbm4b:s9+s30], $0x400, s31, s30, $0x38;
	[tilespmem:$0x1DA00] =	vst v63  }
0x5b: {  	s10 =	simm.s32 $0x400;
	s12 =	sadd.s32 $0x80, s9  }
0x5c: {  	[tilespmem:s10], [sflag:$0x1] =	stream.strided.gather [hbm4b:s12+s30], $0x400, s31, s30, $0x38;
	[tilespmem:$0x1DA00] =	vst v63  }
0x5d: {  	s26 =	simm.s32 $0x800;
	p0 =	por p1, p1;
	s13 =	sadd.s32 $0x100, s9  }
0x5e: {  	[tilespmem:s26], [sflag:$0x1] =	stream.strided.gather [hbm4b:s13+s30], $0x400, s31, s30, $0x38;
	[tilespmem:$0x1DA00] =	vst v63  }
0x5f: {  	s7 =	simm.s32 $0x8000;
	s11 =	sadd.s32 $0x180, s9;
	s12 =	simm.s32 $0xC00  }
0x60: {  	[tilespmem:s12], [sflag:$0x1] =	stream.strided.gather [hbm4b:s11+s30], $0x400, s31, s30, $0x38;
	[tilespmem:$0x1DA00] =	vst v63  }
0x61: {  	s10 =	sadd.s32 $0x380, s9;
	s13 =	sadd.s32 $0x200, s9;
	s26 =	simm.s32 $0x1000  }
0x62: {  	[tilespmem:s26], [sflag:$0x1] =	stream.strided.gather [hbm4b:s13+s30], $0x400, s31, s30, $0x38;
	[tilespmem:$0x1DA00] =	vst v63  }
0x63: {  	s11 =	sadd.s32 $0x280, s9;
	s12 =	simm.s32 $0x1400;
	s13 =	sadd.s32 $0x300, s9  }
0x64: {  	[tilespmem:s12], [sflag:$0x1] =	stream.strided.gather [hbm4b:s11+s30], $0x400, s31, s30, $0x38;
	[tilespmem:$0x1DA00] =	vst v63  }
0x65: {  	s26 =	simm.s32 $0x1800;
	s9 =	sadd.s32 $0x40000, s9;
	s11 =	simm.s32 $0x1C00  }
0x66: {  	[tilespmem:s26], [sflag:$0x1] =	stream.strided.gather [hbm4b:s13+s30], $0x400, s31, s30, $0x38;
	[tilespmem:$0x1DA00] =	vst v63  }
.LBB2_6:
0x67: {  	[tilespmem:s11], [sflag:$0x1] =	stream.strided.gather [hbm4b:s10+s30], $0x400, s31, s30, $0x38;
	[tilespmem:$0x1DA00] =	vst v63  }
0x68: {  	s11 =	sshra.s32 s7, $0x2;
	p1 =	sne.s32 s7, $0x28000;
	s7 =	sadd.s32 $0x8000, s7  }
0x69: {  	[tilespmem:s11], [sflag:$0x1] =	stream.strided.gather [hbm4b:s9+s30], $0x400, s31, s30, $0x38;
	[tilespmem:$0x1DA00] =	vst v63  }
0x6a: {  	s10 =	sadd.s32 $0x80, s9;
	s12 =	sadd.s32 $0x400, s11  }
0x6b: {  	[tilespmem:s12], [sflag:$0x1] =	stream.strided.gather [hbm4b:s10+s30], $0x400, s31, s30, $0x38;
	[tilespmem:$0x1DA00] =	vst v63  }
0x6c: {  	s10 =	sadd.s32 $0x100, s9;
	s12 =	sadd.s32 $0x800, s11  }
0x6d: {  	[tilespmem:s12], [sflag:$0x1] =	stream.strided.gather [hbm4b:s10+s30], $0x400, s31, s30, $0x38;
	[tilespmem:$0x1DA00] =	vst v63  }
0x6e: {  	s10 =	sadd.s32 $0x180, s9;
	s12 =	sadd.s32 $0xC00, s11  }
0x6f: {  	[tilespmem:s12], [sflag:$0x1] =	stream.strided.gather [hbm4b:s10+s30], $0x400, s31, s30, $0x38;
	[tilespmem:$0x1DA00] =	vst v63  }
0x70: {  	s10 =	sadd.s32 $0x200, s9;
	s12 =	sadd.s32 $0x1000, s11  }
0x71: {  	[tilespmem:s12], [sflag:$0x1] =	stream.strided.gather [hbm4b:s10+s30], $0x400, s31, s30, $0x38;
	[tilespmem:$0x1DA00] =	vst v63  }
.Ltmp6:
0x72: {  	s10 =	sadd.s32 $0x280, s9;
	s12 =	sadd.s32 $0x1400, s11;
	(pc) =	sbr.rel @p1 .LBB2_6-.Ltmp6, $4  }
0x73: {  	[tilespmem:s12], [sflag:$0x1] =	stream.strided.gather [hbm4b:s10+s30], $0x400, s31, s30, $0x38;
	[tilespmem:$0x1DA00] =	vst v63  }
0x74: {  	s10 =	sadd.s32 $0x300, s9;
	s12 =	sadd.s32 $0x1800, s11  }
0x75: {  	[tilespmem:s12], [sflag:$0x1] =	stream.strided.gather [hbm4b:s10+s30], $0x400, s31, s30, $0x38;
	[tilespmem:$0x1DA00] =	vst v63  }
0x76: {  	s11 =	sadd.s32 $0x1C00, s11;
	s10 =	sadd.s32 $0x380, s9;
	s9 =	sadd.s32 $0x40000, s9  }
0x77: {  	[tilespmem:s11], [sflag:$0x1] =	stream.strided.gather [hbm4b:s10+s30], $0x400, s31, s30, $0x38;
	[tilespmem:$0x1DA00] =	vst v63  }
0x78: {  	s6 =	sadd.s32 s22, s6  }
0x79: {  	s6 =	sshrl.u32 s6, $0x3  }
0x7a: {  	s7 =	simm.s32 $0xC000;
	s11 =	sadd.s32 s1, s6  }
0x7b: {  	[tilespmem:s7], [sflag:$0x2] =	stream.strided.gather [hbm4b:s11+s30], $0x400, s31, s30, $0x38;
	[tilespmem:$0x1DA00] =	vst v63  }
0x7c: {  	s9 =	sadd.s32 $0x80, s11;
	s7 =	simm.s32 $0xC400  }
0x7d: {  	[tilespmem:s7], [sflag:$0x2] =	stream.strided.gather [hbm4b:s9+s30], $0x400, s31, s30, $0x38;
	[tilespmem:$0x1DA00] =	vst v63  }
0x7e: {  	s12 =	simm.s32 $0xC800;
	s10 =	sadd.s32 $0x100, s11  }
0x7f: {  	[tilespmem:s12], [sflag:$0x2] =	stream.strided.gather [hbm4b:s10+s30], $0x400, s31, s30, $0x38;
	[tilespmem:$0x1DA00] =	vst v63  }
0x80: {  	s26 =	simm.s32 $0xCC00;
	s13 =	sadd.s32 $0x180, s11  }
0x81: {  	[tilespmem:s26], [sflag:$0x2] =	stream.strided.gather [hbm4b:s13+s30], $0x400, s31, s30, $0x38;
	[tilespmem:$0x1DA00] =	vst v63  }
0x82: {  	s7 =	sadd.s32 $0x200, s11;
	s9 =	simm.s32 $0xD000  }
0x83: {  	[tilespmem:s9], [sflag:$0x2] =	stream.strided.gather [hbm4b:s7+s30], $0x400, s31, s30, $0x38;
	[tilespmem:$0x1DA00] =	vst v63  }
0x84: {  	s6 =	simm.s32 $0x2000;
	s10 =	sadd.s32 $0x280, s11;
	s12 =	simm.s32 $0xD400  }
0x85: {  	[tilespmem:s12], [sflag:$0x2] =	stream.strided.gather [hbm4b:s10+s30], $0x400, s31, s30, $0x38;
	[tilespmem:$0x1DA00] =	vst v63  }
0x86: {  	s13 =	sadd.s32 $0x300, s11;
	s26 =	simm.s32 $0xD800;
	s7 =	simm.s32 $0x10000  }
0x87: {  	[tilespmem:s26], [sflag:$0x2] =	stream.strided.gather [hbm4b:s13+s30], $0x400, s31, s30, $0x38;
	[tilespmem:$0x1DA00] =	vst v63  }
0x88: {  	s9 =	sadd.s32 $0x380, s11;
	s10 =	simm.s32 $0xDC00;
	s26 =	sadd.s32 $0x40000, s11  }
.LBB2_8:
0x89: {  	[tilespmem:s10], [sflag:$0x2] =	stream.strided.gather [hbm4b:s9+s30], $0x400, s31, s30, $0x38;
	[tilespmem:$0x1DA00] =	vst v63  }
0x8a: {  	s10 =	smov.u32 s6;
	s6 =	smov.u32 s7  }
0x8b: {  	s11 =	sadd.s32 $0x8000, s7;
	s6 =	sshra.s32 s6, $0x2;
	s9 =	sadd.s32 $0xC000, s10  }
0x8c: {  	[tilespmem:s9], [sflag:$0x2] =	stream.strided.gather [hbm4b:s26+s30], $0x400, s31, s30, $0x38;
	[tilespmem:$0x1DA00] =	vst v63  }
0x8d: {  	p1 =	sne.s32 s7, $0x28000;
	s7 =	sadd.s32 $0x80, s26;
	s9 =	sadd.s32 $0xC400, s10  }
0x8e: {  	[tilespmem:s9], [sflag:$0x2] =	stream.strided.gather [hbm4b:s7+s30], $0x400, s31, s30, $0x38;
	[tilespmem:$0x1DA00] =	vst v63  }
0x8f: {  	s7 =	sadd.s32 $0x100, s26;
	s9 =	sadd.s32 $0xC800, s10  }
0x90: {  	[tilespmem:s9], [sflag:$0x2] =	stream.strided.gather [hbm4b:s7+s30], $0x400, s31, s30, $0x38;
	[tilespmem:$0x1DA00] =	vst v63  }
0x91: {  	s7 =	sadd.s32 $0x180, s26;
	s9 =	sadd.s32 $0xCC00, s10  }
0x92: {  	[tilespmem:s9], [sflag:$0x2] =	stream.strided.gather [hbm4b:s7+s30], $0x400, s31, s30, $0x38;
	[tilespmem:$0x1DA00] =	vst v63  }
0x93: {  	s7 =	sadd.s32 $0x200, s26;
	s9 =	sadd.s32 $0xD000, s10  }
0x94: {  	[tilespmem:s9], [sflag:$0x2] =	stream.strided.gather [hbm4b:s7+s30], $0x400, s31, s30, $0x38;
	[tilespmem:$0x1DA00] =	vst v63  }
.Ltmp7:
0x95: {  	s7 =	sadd.s32 $0x280, s26;
	s9 =	sadd.s32 $0xD400, s10;
	(pc) =	sbr.rel @p1 .LBB2_8-.Ltmp7, $4  }
0x96: {  	[tilespmem:s9], [sflag:$0x2] =	stream.strided.gather [hbm4b:s7+s30], $0x400, s31, s30, $0x38;
	[tilespmem:$0x1DA00] =	vst v63  }
0x97: {  	s7 =	sadd.s32 $0x300, s26;
	s9 =	sadd.s32 $0xD800, s10;
	s10 =	sadd.s32 $0xDC00, s10  }
0x98: {  	[tilespmem:s9], [sflag:$0x2] =	stream.strided.gather [hbm4b:s7+s30], $0x400, s31, s30, $0x38;
	[tilespmem:$0x1DA00] =	vst v63  }
0x99: {  	s9 =	sadd.s32 $0x380, s26;
	s26 =	sadd.s32 $0x40000, s26;
	s7 =	smov.u32 s11  }
0x9a: {  	[tilespmem:s10], [sflag:$0x2] =	stream.strided.gather [hbm4b:s9+s30], $0x400, s31, s30, $0x38;
	[tilespmem:$0x1DA00] =	vst v63  }
0x9b: {  	s7 =	sadd.s32 $0xC000, s6  }
0x9c: {  	[tilespmem:s7], [sflag:$0x2] =	stream.strided.gather [hbm4b:s26+s30], $0x400, s31, s30, $0x38;
	[tilespmem:$0x1DA00] =	vst v63  }
0x9d: {  	s10 =	sadd.s32 $0x80, s26;
	s11 =	sadd.s32 $0xC400, s6  }
0x9e: {  	[tilespmem:s11], [sflag:$0x2] =	stream.strided.gather [hbm4b:s10+s30], $0x400, s31, s30, $0x38;
	[tilespmem:$0x1DA00] =	vst v63  }
0x9f: {  	s12 =	sadd.s32 $0x100, s26;
	s13 =	sadd.s32 $0xC800, s6  }
0xa0: {  	[tilespmem:s13], [sflag:$0x2] =	stream.strided.gather [hbm4b:s12+s30], $0x400, s31, s30, $0x38;
	[tilespmem:$0x1DA00] =	vst v63  }
0xa1: {  	s10 =	sadd.s32 $0x180, s26;
	s11 =	sadd.s32 $0xCC00, s6  }
0xa2: {  	[tilespmem:s11], [sflag:$0x2] =	stream.strided.gather [hbm4b:s10+s30], $0x400, s31, s30, $0x38;
	[tilespmem:$0x1DA00] =	vst v63  }
0xa3: {  	s12 =	sadd.s32 $0x200, s26;
	s13 =	sadd.s32 $0xD000, s6  }
0xa4: {  	[tilespmem:s13], [sflag:$0x2] =	stream.strided.gather [hbm4b:s12+s30], $0x400, s31, s30, $0x38;
	[tilespmem:$0x1DA00] =	vst v63  }
0xa5: {  	s9 =	sadd.s32 $0x280, s26;
	s10 =	sadd.s32 $0xD400, s6  }
0xa6: {  	[tilespmem:s10], [sflag:$0x2] =	stream.strided.gather [hbm4b:s9+s30], $0x400, s31, s30, $0x38;
	[tilespmem:$0x1DA00] =	vst v63  }
0xa7: {  	s11 =	sadd.s32 $0x300, s26;
	s12 =	sadd.s32 $0xD800, s6  }
0xa8: {  	[tilespmem:s12], [sflag:$0x2] =	stream.strided.gather [hbm4b:s11+s30], $0x400, s31, s30, $0x38;
	[tilespmem:$0x1DA00] =	vst v63  }
0xa9: {  	s13 =	sadd.s32 $0x380, s26;
	s26 =	sadd.s32 $0xDC00, s6  }
0xaa: {  	[tilespmem:s26], [sflag:$0x2] =	stream.strided.gather [hbm4b:s13+s30], $0x400, s31, s30, $0x38;
	[tilespmem:$0x1DA00] =	vst v63  }
0xab: {  	_ =	swait.ge [sflag:s0], $0xC000  }
0xac: {  	[sflag:s0] =	ssyncset.done $0x0  }
0xad: {  	[sflag:s0] =	ssyncadd.s32 $0xFFFF4000  }
0xae: {  	_ =	swait.ge [sflag:s5], $0xC000  }
0xaf: {  	[sflag:s5] =	ssyncset.done $0x0  }
0xb0: {  	s6 =	simm.s32 $0x0;
	s26 =	smul.u32 $0x30, s25;
	[sflag:s5] =	ssyncadd.s32 $0xFFFF4000  }
.LBB2_10:
0xb1: {  	_ = 	snop  }
0xb2: {  	s9 =	sand.u32 $0x7, s6;
	s7 =	sadd.s32 s26, s6  }
0xb3: {  	p2 =	sne.s32 s9, $0x0;
	p1 =	seq.s32 s7, $0x0  }
0xb4: {  	p1 =	por !p1, !p2  }
0xb5: {  	s9 =	simm.s32 $0x1;
	p1 =	por !p1, !p1  }
0xb6: {  	s7 =	sshrl.u32 s7, $0x3;
	s9 =	simm.s32 @!p1 $0x0  }
0xb7: {  	s7 =	ssub.s32 s7, s9  }
0xb8: {  	s7 =	sshll.u32 s7, $0x9  }
0xb9: {  	s13 =	sshll.u32 s6, $0x4;
	s10 =	sshll.u32 s6, $0xA;
	s7 =	sshra.s32 s7, $0x2  }
0xba: {  	s11 =	sshll.u32 s6, $0x7;
	s9 =	sand.u32 $0x70, s13;
	s7 =	sadd.s32 s7, s23  }
0xbb: {  	s10 =	sand.u32 $0xE000, s10;
	s11 =	sand.u32 $0x380, s11;
	s7 =	sadd.s32 s9, s7  }
0xbc: {  	s12 =	sand.u32 $0x1C00, s29;
	v2 =	vld [tilespmem:s7+$0x0];
	s7 =	sor.u32 s10, s11  }
0xbd: {  	s13 =	sand.u32 $0x70, s29;
	s9 =	sor.u32 s12, s7  }
0xbe: {  	s9 =	sor.u32 s13, s9  }
0xbf: {  	v4 =	vld [tilespmem:s9+$0xC000]  }
0xc0: {  	v5 =	vld [tilespmem:s9+$0x0]  }
0xc1: {  	v3 =	vsub.f32 $1.000000000e+00, v2;
	_ =	sdelay $0x1  }
0xc2: {  	s11 =	sand.u32 $0x180, s29;
	v3 =	vmul.f32 v3, v0  }
0xc3: {  	v6 =	vld.idx.msk [tilespmem:v1+s11+$0x0 ss:$0x1], $0xffff  }
0xc4: {  	v5 =	vmul.f32 v5, v2;
	v4 =	vmul.f32 v4, v3;
	_ =	sdelay $0x1  }
0xc5: {  	s10 =	simm.s32 $0x80;
	v4 =	vadd.f32 v4, v5  }
0xc6: {  	s12 =	simm.s32 $0x10;
	s13 =	sand.u32 $0x1C00, s10  }
0xc7: {  	s11 =	simm.s32 $0x20;
	s12 =	sand.u32 $0x70, s12;
	s13 =	sor.u32 s13, s7;
	v4 =	vmul.f32 v4, v6  }
.LBB2_11:
0xc8: {  	p1 =	sne.s32 s11, $0x3F0;
	s12 =	sor.u32 s12, s13  }
0xc9: {  	v5 =	vld [tilespmem:s12+$0xC000];
	[tilespmem:s9+$0x0] =	vst v4;
	s9 =	smov.u32 s12  }
0xca: {  	v4 =	vld [tilespmem:s9+$0x0];
	_ =	sdelay $0x1  }
0xcb: {  	s12 =	sand.u32 $0x180, s10  }
0xcc: {  	v6 =	vld.idx.msk [tilespmem:v1+s12+$0x0 ss:$0x1], $0xffff;
	_ =	sdelay $0x1  }
.Ltmp8:
0xcd: {  	v5 =	vmul.f32 v5, v3;
	v4 =	vmul.f32 v4, v2;
	(pc) =	sbr.rel @p1 .LBB2_11-.Ltmp8, $4  }
0xce: {  	_ = 	snop  }
0xcf: {  	s10 =	sadd.s32 $0x80, s10;
	v4 =	vadd.f32 v5, v4  }
0xd0: {  	s13 =	sand.u32 $0x1C00, s10  }
0xd1: {  	s13 =	sor.u32 s13, s7;
	s12 =	sand.u32 $0x70, s11;
	s11 =	sadd.s32 $0x10, s11;
	v4 =	vmul.f32 v4, v6  }
0xd2: {  	s7 =	sor.u32 s12, s13  }
0xd3: {  	v5 =	vld [tilespmem:s7+$0xC000];
	[tilespmem:s9+$0x0] =	vst v4  }
0xd4: {  	v4 =	vld [tilespmem:s7+$0x0];
	_ =	sdelay $0x2  }
0xd5: {  	s13 =	sand.u32 $0x180, s10  }
0xd6: {  	v6 =	vld.idx.msk [tilespmem:v1+s13+$0x0 ss:$0x1], $0xffff  }
0xd7: {  	s6 =	sadd.s32 $0x1, s6;
	v3 =	vmul.f32 v5, v3;
	v2 =	vmul.f32 v4, v2  }
0xd8: {  	p1 =	sne.s32 s6, $0x30  }
.Ltmp9:
0xd9: {  	v2 =	vadd.f32 v3, v2;
	(pc) =	sbr.rel @p1 .LBB2_10-.Ltmp9, $3  }
0xda: {  	_ = 	snop  }
0xdb: {  	v2 =	vmul.f32 v2, v6;
	_ =	sdelay $0x1  }
0xdc: {  	[tilespmem:s7+$0x0] =	vst v2  }
0xdd: {  	s6 =	smul.u32 $0xC000, s25;
	_ =	sdelay $0x1  }
0xde: {  	s6 =	sadd.s32 s24, s6  }
0xdf: {  	s6 =	sshrl.u32 s6, $0x3  }
0xe0: {  	s6 =	sadd.s32 s2, s6  }
0xe1: {  	[hbm4b:s6+s3] =	stream.linear.scatter [tilespmem:s3], [sflag:$0x3], $0xC000, $0x38;
	[tilespmem:$0x1DA00] =	vst v63  }
.Ltmp10:
0xe2: {  	_ = 	snop;
	(pc) =	sbr.rel @p0 .LBB2_5-.Ltmp10, $4  }
.Ltmp11:
0xe3: {  	_ = 	snop;
	(pc) =	sbr.rel @!p0 .LBB2_19-.Ltmp11, $4  }
0xe4: {  	_ =	swait.ge [sflag:s28], $0xC000  }
0xe5: {  	[sflag:s28] =	ssyncset.done $0x0  }
0xe6: {  	s25 =	simm.s32 $0x1;
	p1 =	por $0x0, $0x0;
	[sflag:s28] =	ssyncadd.s32 $0xFFFF4000  }
0xe7: {  	_ = 	snop  }
.LBB2_14:
0xe8: {  	s6 =	sshll.u32 s9, $0xA;
	s7 =	sshll.u32 s9, $0x7  }
0xe9: {  	s6 =	sand.u32 $0xFFFFE000, s6;
	s21 =	sand.u32 $0x380, s7  }
0xea: {  	s7 =	sor.u32 s21, s6  }
0xeb: {  	s7 =	sshrl.u32 s7, $0x3  }
0xec: {  	s22 =	simm.s32 $0x0;
	s9 =	sadd.s32 s1, s7  }
0xed: {  	[tilespmem:s22], [sflag:$0x1] =	stream.strided.gather [hbm4b:s9+s30], $0x400, s31, s30, $0x38;
	[tilespmem:$0x1DA00] =	vst v63  }
0xee: {  	s10 =	simm.s32 $0x400;
	s23 =	sadd.s32 $0x80, s9  }
0xef: {  	[tilespmem:s10], [sflag:$0x1] =	stream.strided.gather [hbm4b:s23+s30], $0x400, s31, s30, $0x38;
	[tilespmem:$0x1DA00] =	vst v63  }
0xf0: {  	s26 =	simm.s32 $0x800;
	s25 =	sadd.s32 $0x100, s9  }
0xf1: {  	[tilespmem:s26], [sflag:$0x1] =	stream.strided.gather [hbm4b:s25+s30], $0x400, s31, s30, $0x38;
	[tilespmem:$0x1DA00] =	vst v63  }
0xf2: {  	s11 =	simm.s32 $0xC00;
	s13 =	simm.s32 $0x1000;
	s10 =	sadd.s32 $0x180, s9  }
0xf3: {  	[tilespmem:s11], [sflag:$0x1] =	stream.strided.gather [hbm4b:s10+s30], $0x400, s31, s30, $0x38;
	[tilespmem:$0x1DA00] =	vst v63  }
0xf4: {  	s7 =	simm.s32 $0x8000;
	s12 =	sadd.s32 $0x200, s9;
	s22 =	sadd.s32 $0x280, s9  }
0xf5: {  	[tilespmem:s13], [sflag:$0x1] =	stream.strided.gather [hbm4b:s12+s30], $0x400, s31, s30, $0x38;
	[tilespmem:$0x1DA00] =	vst v63  }
0xf6: {  	s23 =	simm.s32 $0x1400;
	s25 =	sadd.s32 $0x300, s9;
	s26 =	simm.s32 $0x1800  }
0xf7: {  	[tilespmem:s23], [sflag:$0x1] =	stream.strided.gather [hbm4b:s22+s30], $0x400, s31, s30, $0x38;
	[tilespmem:$0x1DA00] =	vst v63  }
0xf8: {  	s10 =	sadd.s32 $0x380, s9;
	s11 =	simm.s32 $0x1C00;
	s9 =	sadd.s32 $0x40000, s9  }
0xf9: {  	[tilespmem:s26], [sflag:$0x1] =	stream.strided.gather [hbm4b:s25+s30], $0x400, s31, s30, $0x38;
	[tilespmem:$0x1DA00] =	vst v63  }
.LBB2_15:
0xfa: {  	[tilespmem:s11], [sflag:$0x1] =	stream.strided.gather [hbm4b:s10+s30], $0x400, s31, s30, $0x38;
	[tilespmem:$0x1DA00] =	vst v63  }
0xfb: {  	s11 =	sshra.s32 s7, $0x2;
	p0 =	sne.s32 s7, $0x28000;
	s7 =	sadd.s32 $0x8000, s7  }
0xfc: {  	[tilespmem:s11], [sflag:$0x1] =	stream.strided.gather [hbm4b:s9+s30], $0x400, s31, s30, $0x38;
	[tilespmem:$0x1DA00] =	vst v63  }
0xfd: {  	s10 =	sadd.s32 $0x80, s9;
	s12 =	sadd.s32 $0x400, s11  }
0xfe: {  	[tilespmem:s12], [sflag:$0x1] =	stream.strided.gather [hbm4b:s10+s30], $0x400, s31, s30, $0x38;
	[tilespmem:$0x1DA00] =	vst v63  }
0xff: {  	s10 =	sadd.s32 $0x100, s9;
	s12 =	sadd.s32 $0x800, s11  }
0x100: {  	[tilespmem:s12], [sflag:$0x1] =	stream.strided.gather [hbm4b:s10+s30], $0x400, s31, s30, $0x38;
	[tilespmem:$0x1DA00] =	vst v63  }
0x101: {  	s10 =	sadd.s32 $0x180, s9;
	s12 =	sadd.s32 $0xC00, s11  }
0x102: {  	[tilespmem:s12], [sflag:$0x1] =	stream.strided.gather [hbm4b:s10+s30], $0x400, s31, s30, $0x38;
	[tilespmem:$0x1DA00] =	vst v63  }
0x103: {  	s10 =	sadd.s32 $0x200, s9;
	s12 =	sadd.s32 $0x1000, s11  }
0x104: {  	[tilespmem:s12], [sflag:$0x1] =	stream.strided.gather [hbm4b:s10+s30], $0x400, s31, s30, $0x38;
	[tilespmem:$0x1DA00] =	vst v63  }
.Ltmp12:
0x105: {  	s10 =	sadd.s32 $0x280, s9;
	s12 =	sadd.s32 $0x1400, s11;
	(pc) =	sbr.rel @p0 .LBB2_15-.Ltmp12, $4  }
0x106: {  	[tilespmem:s12], [sflag:$0x1] =	stream.strided.gather [hbm4b:s10+s30], $0x400, s31, s30, $0x38;
	[tilespmem:$0x1DA00] =	vst v63  }
0x107: {  	s10 =	sadd.s32 $0x300, s9;
	s12 =	sadd.s32 $0x1800, s11  }
0x108: {  	[tilespmem:s12], [sflag:$0x1] =	stream.strided.gather [hbm4b:s10+s30], $0x400, s31, s30, $0x38;
	[tilespmem:$0x1DA00] =	vst v63  }
0x109: {  	s11 =	sadd.s32 $0x1C00, s11;
	s10 =	sadd.s32 $0x380, s9;
	s9 =	sadd.s32 $0x40000, s9  }
0x10a: {  	[tilespmem:s11], [sflag:$0x1] =	stream.strided.gather [hbm4b:s10+s30], $0x400, s31, s30, $0x38;
	[tilespmem:$0x1DA00] =	vst v63  }
0x10b: {  	s6 =	sadd.s32 s21, s6  }
0x10c: {  	s6 =	sadd.s32 $0xC00000, s6  }
0x10d: {  	s6 =	sshrl.u32 s6, $0x3  }
0x10e: {  	s25 =	simm.s32 $0xC000;
	s11 =	sadd.s32 s1, s6  }
0x10f: {  	[tilespmem:s25], [sflag:$0x2] =	stream.strided.gather [hbm4b:s11+s30], $0x400, s31, s30, $0x38;
	[tilespmem:$0x1DA00] =	vst v63  }
0x110: {  	s7 =	simm.s32 $0xC400;
	s26 =	sadd.s32 $0x80, s11  }
0x111: {  	[tilespmem:s7], [sflag:$0x2] =	stream.strided.gather [hbm4b:s26+s30], $0x400, s31, s30, $0x38;
	[tilespmem:$0x1DA00] =	vst v63  }
0x112: {  	s9 =	simm.s32 $0xC800;
	s12 =	simm.s32 $0xCC00;
	s7 =	sadd.s32 $0x100, s11  }
0x113: {  	[tilespmem:s9], [sflag:$0x2] =	stream.strided.gather [hbm4b:s7+s30], $0x400, s31, s30, $0x38;
	[tilespmem:$0x1DA00] =	vst v63  }
0x114: {  	s21 =	simm.s32 $0xD000;
	s23 =	simm.s32 $0xD400;
	s10 =	sadd.s32 $0x180, s11  }
0x115: {  	[tilespmem:s12], [sflag:$0x2] =	stream.strided.gather [hbm4b:s10+s30], $0x400, s31, s30, $0x38;
	[tilespmem:$0x1DA00] =	vst v63  }
0x116: {  	s6 =	simm.s32 $0x2000;
	s13 =	sadd.s32 $0x200, s11;
	s22 =	sadd.s32 $0x280, s11  }
0x117: {  	[tilespmem:s21], [sflag:$0x2] =	stream.strided.gather [hbm4b:s13+s30], $0x400, s31, s30, $0x38;
	[tilespmem:$0x1DA00] =	vst v63  }
0x118: {  	s25 =	sadd.s32 $0x300, s11;
	s26 =	simm.s32 $0xD800;
	s7 =	simm.s32 $0x10000  }
0x119: {  	[tilespmem:s23], [sflag:$0x2] =	stream.strided.gather [hbm4b:s22+s30], $0x400, s31, s30, $0x38;
	[tilespmem:$0x1DA00] =	vst v63  }
0x11a: {  	s9 =	sadd.s32 $0x380, s11;
	s10 =	simm.s32 $0xDC00;
	s21 =	sadd.s32 $0x40000, s11  }
0x11b: {  	[tilespmem:s26], [sflag:$0x2] =	stream.strided.gather [hbm4b:s25+s30], $0x400, s31, s30, $0x38;
	[tilespmem:$0x1DA00] =	vst v63  }
.LBB2_17:
0x11c: {  	[tilespmem:s10], [sflag:$0x2] =	stream.strided.gather [hbm4b:s9+s30], $0x400, s31, s30, $0x38;
	[tilespmem:$0x1DA00] =	vst v63  }
0x11d: {  	s10 =	smov.u32 s6;
	s6 =	smov.u32 s7  }
0x11e: {  	s11 =	sadd.s32 $0x8000, s7;
	s6 =	sshra.s32 s6, $0x2;
	s9 =	sadd.s32 $0xC000, s10  }
0x11f: {  	[tilespmem:s9], [sflag:$0x2] =	stream.strided.gather [hbm4b:s21+s30], $0x400, s31, s30, $0x38;
	[tilespmem:$0x1DA00] =	vst v63  }
0x120: {  	p0 =	sne.s32 s7, $0x28000;
	s7 =	sadd.s32 $0x80, s21;
	s9 =	sadd.s32 $0xC400, s10  }
0x121: {  	[tilespmem:s9], [sflag:$0x2] =	stream.strided.gather [hbm4b:s7+s30], $0x400, s31, s30, $0x38;
	[tilespmem:$0x1DA00] =	vst v63  }
0x122: {  	s7 =	sadd.s32 $0x100, s21;
	s9 =	sadd.s32 $0xC800, s10  }
0x123: {  	[tilespmem:s9], [sflag:$0x2] =	stream.strided.gather [hbm4b:s7+s30], $0x400, s31, s30, $0x38;
	[tilespmem:$0x1DA00] =	vst v63  }
0x124: {  	s7 =	sadd.s32 $0x180, s21;
	s9 =	sadd.s32 $0xCC00, s10  }
0x125: {  	[tilespmem:s9], [sflag:$0x2] =	stream.strided.gather [hbm4b:s7+s30], $0x400, s31, s30, $0x38;
	[tilespmem:$0x1DA00] =	vst v63  }
0x126: {  	s7 =	sadd.s32 $0x200, s21;
	s9 =	sadd.s32 $0xD000, s10  }
0x127: {  	[tilespmem:s9], [sflag:$0x2] =	stream.strided.gather [hbm4b:s7+s30], $0x400, s31, s30, $0x38;
	[tilespmem:$0x1DA00] =	vst v63  }
.Ltmp13:
0x128: {  	s7 =	sadd.s32 $0x280, s21;
	s9 =	sadd.s32 $0xD400, s10;
	(pc) =	sbr.rel @p0 .LBB2_17-.Ltmp13, $4  }
0x129: {  	[tilespmem:s9], [sflag:$0x2] =	stream.strided.gather [hbm4b:s7+s30], $0x400, s31, s30, $0x38;
	[tilespmem:$0x1DA00] =	vst v63  }
0x12a: {  	s7 =	sadd.s32 $0x300, s21;
	s9 =	sadd.s32 $0xD800, s10;
	s10 =	sadd.s32 $0xDC00, s10  }
0x12b: {  	[tilespmem:s9], [sflag:$0x2] =	stream.strided.gather [hbm4b:s7+s30], $0x400, s31, s30, $0x38;
	[tilespmem:$0x1DA00] =	vst v63  }
0x12c: {  	s9 =	sadd.s32 $0x380, s21;
	s21 =	sadd.s32 $0x40000, s21;
	s7 =	smov.u32 s11  }
0x12d: {  	[tilespmem:s10], [sflag:$0x2] =	stream.strided.gather [hbm4b:s9+s30], $0x400, s31, s30, $0x38;
	[tilespmem:$0x1DA00] =	vst v63  }
0x12e: {  	s7 =	sadd.s32 $0xC000, s6  }
0x12f: {  	[tilespmem:s7], [sflag:$0x2] =	stream.strided.gather [hbm4b:s21+s30], $0x400, s31, s30, $0x38;
	[tilespmem:$0x1DA00] =	vst v63  }
0x130: {  	s12 =	sadd.s32 $0x80, s21;
	s13 =	sadd.s32 $0xC400, s6  }
0x131: {  	[tilespmem:s13], [sflag:$0x2] =	stream.strided.gather [hbm4b:s12+s30], $0x400, s31, s30, $0x38;
	[tilespmem:$0x1DA00] =	vst v63  }
0x132: {  	s22 =	sadd.s32 $0x100, s21;
	s23 =	sadd.s32 $0xC800, s6  }
0x133: {  	[tilespmem:s23], [sflag:$0x2] =	stream.strided.gather [hbm4b:s22+s30], $0x400, s31, s30, $0x38;
	[tilespmem:$0x1DA00] =	vst v63  }
0x134: {  	s25 =	sadd.s32 $0x180, s21;
	s26 =	sadd.s32 $0xCC00, s6  }
0x135: {  	[tilespmem:s26], [sflag:$0x2] =	stream.strided.gather [hbm4b:s25+s30], $0x400, s31, s30, $0x38;
	[tilespmem:$0x1DA00] =	vst v63  }
0x136: {  	s9 =	sadd.s32 $0x200, s21;
	s10 =	sadd.s32 $0xD000, s6  }
0x137: {  	[tilespmem:s10], [sflag:$0x2] =	stream.strided.gather [hbm4b:s9+s30], $0x400, s31, s30, $0x38;
	[tilespmem:$0x1DA00] =	vst v63  }
0x138: {  	s11 =	sadd.s32 $0x280, s21;
	s12 =	sadd.s32 $0xD400, s6  }
0x139: {  	[tilespmem:s12], [sflag:$0x2] =	stream.strided.gather [hbm4b:s11+s30], $0x400, s31, s30, $0x38;
	[tilespmem:$0x1DA00] =	vst v63  }
0x13a: {  	s13 =	sadd.s32 $0x300, s21;
	s22 =	sadd.s32 $0xD800, s6  }
0x13b: {  	[tilespmem:s22], [sflag:$0x2] =	stream.strided.gather [hbm4b:s13+s30], $0x400, s31, s30, $0x38;
	[tilespmem:$0x1DA00] =	vst v63  }
0x13c: {  	s23 =	sadd.s32 $0x380, s21;
	s25 =	sadd.s32 $0xDC00, s6  }
0x13d: {  	[tilespmem:s25], [sflag:$0x2] =	stream.strided.gather [hbm4b:s23+s30], $0x400, s31, s30, $0x38;
	[tilespmem:$0x1DA00] =	vst v63  }
0x13e: {  	_ =	swait.ge [sflag:s0], $0xC000  }
0x13f: {  	[sflag:s0] =	ssyncset.done $0x0  }
0x140: {  	s26 =	smul.u32 $0x18000, s24;
	[sflag:s0] =	ssyncadd.s32 $0xFFFF4000  }
0x141: {  	_ =	swait.ge [sflag:s5], $0xC000  }
0x142: {  	s6 =	sshrl.u32 s26, $0x3;
	[sflag:s5] =	ssyncset.done $0x0  }
0x143: {  	s6 =	sadd.s32 s2, s6;
	[sflag:s5] =	ssyncadd.s32 $0xFFFF4000  }
0x144: {  	[hbm4b:s6+s3] =	stream.linear.scatter [tilespmem:s3], [sflag:$0x1], $0xC000, $0x38;
	[tilespmem:$0x1DA00] =	vst v63  }
0x145: {  	s6 =	sadd.s32 $0x1800, s6  }
0x146: {  	[hbm4b:s6+s3] =	stream.linear.scatter [tilespmem:s18], [sflag:$0x2], $0xC000, $0x38;
	[tilespmem:$0x1DA00] =	vst v63  }
0x147: {  	_ =	swait.ge [sflag:s0], $0xC000  }
.Ltmp14:
0x148: {  	[sflag:s0] =	ssyncset.done $0x0;
	(pc) =	sbr.rel .LBB2_19-.Ltmp14, $4  }
0x149: {  	[sflag:s0] =	ssyncadd.s32 $0xFFFF4000  }
0x14a: {  	_ =	swait.ge [sflag:s5], $0xC000  }
0x14b: {  	[sflag:s5] =	ssyncset.done $0x0  }
0x14c: {  	[sflag:s5] =	ssyncadd.s32 $0xFFFF4000  }
.LBB2_21:
0x14d: {  	_ =	sfence.sel $0x180000  }
0x14e: {  	[bflag:$0x0] =	sbarrier.arrive $0xFFFF  }
0x14f: {  	_ =	strace $0x90000047  }
0x150: {  	s0 =	stileid.u32;
	[bflag:$0x2] =	sbarrier.arrive $0xFFFF  }
0x151: {  	p0 =	sne.s32 s0, $0x0;
	s0 =	rddreg [dreg:$0x3]  }
0x152: {  	s0 =	sadd.s32 @!p0 $0x100000, s0  }
0x153: {  	[sflag:s0] =	ssyncadd.tile.s32 @!p0 $0x1;
	_ =	shalt  }
.Lfunc_end2:
_tile_overlayer_lowered:
.L_overlay_start_2:
0x154: {  	(tag) =	ssettag $0x2  }
0x155: {  	s0 =	rddreg [dreg:$0x0];
	s2 =	stileid.u32  }
0x156: {  	s1 =	rddreg [dreg:$0x1];
	p0 =	sne.s32 s2, $0x0  }
0x157: {  	s3 =	rddreg [dreg:$0x2];
	[bflag:$0x3] =	sbarrier.arrive $0xFFFF;
	s2 =	simm.s32 @!p0 $0x1C03  }
0x158: {  	[timem:s3], [sflag:s2] =	dma.local @!p0 [hbm:s0], s1  }
0x159: {  	s0 =	simm.s32 @!p0 $0x3  }
0x15a: {  	_ =	swait.ge @!p0 [sflag:s0], s1  }
0x15b: {  	s1 =	ssub.s32 @!p0 $0x0, s1;
	[sflag:s0] =	ssyncset.done @!p0 $0x0  }
0x15c: {  	[sflag:s0] =	ssyncadd.s32 @!p0 s1  }
0x15d: {  	[bflag:$0x3] =	sbarrier.arrive $0xFFFF  }
0x15e: {  	_ =	shalt  }

</sc_bundles>
